<compile_context>
chip_gen: v7x
topology: tpu7x:2x2x1
jax: 0.10.2.dev20260603
libtpu: 0.0.44.dev20260713+nightly
codegen_flags: <defaults>
</compile_context>

<pallas_src>
import functools

import jax
import jax.numpy as jnp
from jax import lax
from jax.experimental import pallas as pl
from jax.experimental.pallas import tpu as pltpu
from jax.experimental.pallas import tpu_sc as plsc

_B, _L, _H = 4096, 200, 128
_NCOMBO = 12 * 7 * 2
_NC, _NS = 2, 16
_NW = _NC * _NS
_TOK = _B * _L
_CH = 128
_LBLK = 8


def _table_body(month_ref, week_ref, hol_ref, ww_ref, bw_ref, wh_ref, bh_ref,
                pe_ref, out_ref, comb_ref):
    @pl.when(pl.program_id(0) == 0)
    def _():
        wproj = jnp.dot(week_ref[...], ww_ref[...],
                        preferred_element_type=jnp.float32) + bw_ref[...]
        hproj = jnp.dot(hol_ref[...], wh_ref[...],
                        preferred_element_type=jnp.float32) + bh_ref[...]
        r_m = lax.broadcasted_iota(jnp.int32, (_NCOMBO, 12), 0) // 14
        c_m = lax.broadcasted_iota(jnp.int32, (_NCOMBO, 12), 1)
        s_m = (r_m == c_m).astype(jnp.float32)
        r_w = (lax.broadcasted_iota(jnp.int32, (_NCOMBO, 7), 0) % 14) // 2
        c_w = lax.broadcasted_iota(jnp.int32, (_NCOMBO, 7), 1)
        s_w = (r_w == c_w).astype(jnp.float32)
        r_h = lax.broadcasted_iota(jnp.int32, (_NCOMBO, 2), 0) % 2
        c_h = lax.broadcasted_iota(jnp.int32, (_NCOMBO, 2), 1)
        s_h = (r_h == c_h).astype(jnp.float32)
        comb_ref[...] = (
            jnp.dot(s_m, month_ref[...], preferred_element_type=jnp.float32)
            + jnp.dot(s_w, wproj, preferred_element_type=jnp.float32)
            + jnp.dot(s_h, hproj, preferred_element_type=jnp.float32))

    out_ref[...] = comb_ref[...][None, :, :] + pe_ref[...][:, None, :]


def _build_table(month, week, hol, ww, bw2, wh, bh2, pe2):
    grid = _L // _LBLK
    const = lambda blk: pl.BlockSpec(blk, lambda i: tuple(0 for _ in blk))
    return pl.pallas_call(
        _table_body,
        grid=(grid,),
        in_specs=[
            const((12, _H)),
            const((7, _H // 2)),
            const((2, _H // 4)),
            const((_H // 2, _H)),
            const((1, _H)),
            const((_H // 4, _H)),
            const((1, _H)),
            pl.BlockSpec((_LBLK, _H), lambda i: (i, 0)),
        ],
        out_specs=pl.BlockSpec((_LBLK, _NCOMBO, _H), lambda i: (i, 0, 0)),
        out_shape=jax.ShapeDtypeStruct((_L, _NCOMBO, _H), jnp.float32),
        scratch_shapes=[pltpu.VMEM((_NCOMBO, _H), jnp.float32)],
    )(month, week, hol, ww, bw2, wh, bh2, pe2)


def _idx_body(with_l, m_ref, w_ref, h_ref, out_ref):
    rows, cols = m_ref.shape
    c = (m_ref[...] - 1) * 14 + w_ref[...] * 2 + h_ref[...]
    if with_l:
        row = lax.broadcasted_iota(jnp.int32, (rows, cols), 0)
        col = lax.broadcasted_iota(jnp.int32, (rows, cols), 1)
        flat = (pl.program_id(0) * rows + row) * cols + col
        c = (flat % _L) * _NCOMBO + c
    out_ref[...] = c


def _build_idx(m2, w2, h2, with_l):
    rows = m2.shape[0]
    rblk = 400
    grid = rows // rblk
    spec = pl.BlockSpec((rblk, 128), lambda i: (i, 0))
    return pl.pallas_call(
        functools.partial(_idx_body, with_l),
        grid=(grid,),
        in_specs=[spec, spec, spec],
        out_specs=spec,
        out_shape=jax.ShapeDtypeStruct((rows, 128), jnp.int32),
    )(m2, w2, h2)


def _gather_body(nchunk, t_hbm, g_hbm, out_hbm, idx_v, rows_v,
                 sg0, sg1, sg2, sg3, so0, so1, so2, so3):
    wid = lax.axis_index("s") * _NC + lax.axis_index("c")
    pltpu.sync_copy(g_hbm.at[wid], idx_v)
    base = wid * nchunk * _CH
    sg = (sg0, sg1, sg2, sg3)
    so = (so0, so1, so2, so3)

    def start_gather(i, b):
        pltpu.async_copy(t_hbm.at[idx_v.at[i]], rows_v.at[b], sg[b])

    def wait_gather(b):
        pltpu.make_async_copy(t_hbm.at[pl.ds(0, _CH)], rows_v.at[b],
                              sg[b]).wait()

    def start_out(i, b):
        pltpu.async_copy(rows_v.at[b], out_hbm.at[pl.ds(base + i * _CH, _CH)],
                         so[b])

    def wait_out(b):
        pltpu.make_async_copy(rows_v.at[b], out_hbm.at[pl.ds(base, _CH)],
                              so[b]).wait()

    start_gather(0, 0)
    start_gather(1, 1)
    start_gather(2, 2)
    wait_gather(0)
    start_out(0, 0)
    start_gather(3, 3)
    wait_gather(1)
    start_out(1, 1)

    def body2(g, carry):
        for b4 in range(4):
            i = 2 + g * 4 + b4
            bcur = (2 + b4) % 4
            bnext = b4
            wait_out(bnext)
            start_gather(i + 2, bnext)
            wait_gather(bcur)
            start_out(i, bcur)
        return carry

    lax.fori_loop(0, (nchunk - 4) // 4, body2, 0)

    for i in range(2 + 4 * ((nchunk - 4) // 4), nchunk - 2):
        wait_out((i + 2) % 4)
        start_gather(i + 2, (i + 2) % 4)
        wait_gather(i % 4)
        start_out(i, i % 4)

    wait_gather((nchunk - 2) % 4)
    start_out(nchunk - 2, (nchunk - 2) % 4)
    wait_gather((nchunk - 1) % 4)
    start_out(nchunk - 1, (nchunk - 1) % 4)
    for b in range(4):
        wait_out(b)


def _sc_gather(t2, gidx2, n_tok):
    nchunk = n_tok // (_NW * _CH)
    mesh = plsc.VectorSubcoreMesh(core_axis_name="c", subcore_axis_name="s")
    fn = pl.kernel(
        functools.partial(_gather_body, nchunk),
        mesh=mesh,
        out_type=jax.ShapeDtypeStruct((n_tok, _H), jnp.float32),
        scratch_types=[
            pltpu.VMEM((nchunk, _CH), jnp.int32),
            pltpu.VMEM((4, _CH, _H), jnp.float32),
        ] + [pltpu.SemaphoreType.DMA] * 8,
    )
    return fn(t2, gidx2.reshape(_NW, nchunk, _CH))


_TN = 3200


def _tc_body(c_ref, month_ref, week_ref, hol_ref, ww_ref,
             bw_ref, wh_ref, bh_ref, pe_ref, out_ref, stack_ref, pes_ref):
    @pl.when(pl.program_id(0) == 0)
    def _():
        wproj = jnp.dot(week_ref[...], ww_ref[...],
                        preferred_element_type=jnp.float32)
        hproj = jnp.dot(hol_ref[...], wh_ref[...],
                        preferred_element_type=jnp.float32)
        r_m = lax.broadcasted_iota(jnp.int32, (_NCOMBO, 12), 0) // 14
        c_m = lax.broadcasted_iota(jnp.int32, (_NCOMBO, 12), 1)
        r_w = (lax.broadcasted_iota(jnp.int32, (_NCOMBO, 7), 0) % 14) // 2
        c_w = lax.broadcasted_iota(jnp.int32, (_NCOMBO, 7), 1)
        r_h = lax.broadcasted_iota(jnp.int32, (_NCOMBO, 2), 0) % 2
        c_h = lax.broadcasted_iota(jnp.int32, (_NCOMBO, 2), 1)
        stack_ref[...] = (
            jnp.dot((r_m == c_m).astype(jnp.float32), month_ref[...],
                    preferred_element_type=jnp.float32)
            + jnp.dot((r_w == c_w).astype(jnp.float32), wproj,
                      preferred_element_type=jnp.float32)
            + jnp.dot((r_h == c_h).astype(jnp.float32), hproj,
                      preferred_element_type=jnp.float32))
        pebb = pe_ref[...] + bw_ref[...] + bh_ref[...]
        for j in range(_TN // _L):
            pes_ref[j * _L:(j + 1) * _L, :] = pebb

    kio = lax.broadcasted_iota(jnp.int32, (_NCOMBO, 128), 0)
    stack_bf = stack_ref[...].astype(jnp.bfloat16)
    dn = (((0,), (0,)), ((), ()))
    cv = c_ref[...]
    for r in range(_TN // 128):
        oht = (kio == cv[0, r:r + 1, :]).astype(jnp.bfloat16)
        out_ref[r * 128:(r + 1) * 128, :] = lax.dot_general(
            oht, stack_bf, dn, preferred_element_type=jnp.float32,
        ) + pes_ref[r * 128:(r + 1) * 128, :]


def _tc_lookup(c2, month, week, hol, ww, bw2, wh, bh2, pe2):
    n = c2.shape[0] * 128
    grid = n // _TN
    off = _SC_TOK // _TN
    c3 = c2.reshape(grid, _TN // 128, 128)
    tok = pl.BlockSpec((1, _TN // 128, 128), lambda i: (i, 0, 0))
    const = lambda blk: pl.BlockSpec(blk, lambda i: tuple(0 for _ in blk))
    return pl.pallas_call(
        _tc_body,
        grid=(grid,),
        in_specs=[
            tok,
            const((12, _H)),
            const((7, _H // 2)),
            const((2, _H // 4)),
            const((_H // 2, _H)),
            const((1, _H)),
            const((_H // 4, _H)),
            const((1, _H)),
            const((_L, _H)),
        ],
        out_specs=pl.BlockSpec((_TN, _H), lambda i: (i + off, 0)),
        out_shape=jax.ShapeDtypeStruct((_TOK, _H), jnp.float32),
        scratch_shapes=[pltpu.VMEM((_NCOMBO, _H), jnp.float32),
                        pltpu.VMEM((_TN, _H), jnp.float32)],
    )(c3, month, week, hol, ww, bw2, wh, bh2, pe2)


_SC_TOK = 102400


def kernel(time_features, month_table, week_table, holiday_table,
           W_week, b_week, W_holiday, b_holiday, pe):
    tf = time_features.astype(jnp.int32)
    pe2 = pe[0, :_L, :]
    bw2 = b_week.reshape(1, _H)
    bh2 = b_holiday.reshape(1, _H)
    m2 = tf[..., 0].reshape(_TOK // 128, 128)
    w2 = tf[..., 1].reshape(_TOK // 128, 128)
    h2 = tf[..., 2].reshape(_TOK // 128, 128)
    c2 = _build_idx(m2[_SC_TOK // 128:], w2[_SC_TOK // 128:],
                    h2[_SC_TOK // 128:], with_l=False)
    out2 = _tc_lookup(c2, month_table, week_table, holiday_table,
                      W_week, bw2, W_holiday, bh2, pe2)
    if _SC_TOK:
        t3 = _build_table(month_table, week_table, holiday_table,
                          W_week, bw2, W_holiday, bh2, pe2)
        t2 = t3.reshape(_L * _NCOMBO, _H)
        gidx2 = _build_idx(m2[: _SC_TOK // 128], w2[: _SC_TOK // 128],
                           h2[: _SC_TOK // 128], with_l=True)
        sc_piece = _sc_gather(t2, gidx2, _SC_TOK)
        out2 = lax.dynamic_update_slice(out2, sc_piece, (0, 0))
    return out2.reshape(_B, _L, _H)

# --- scband reference (transcript-rebuilt; emitter-appended) ---
"""Pipeline reference for scband-temporal-embedding-63634235457875 (READ-ONLY COPY).

The authoritative reference and input builder live on the scoring server;
editing this copy changes nothing except your own understanding.
"""

import jax, jax.numpy as jnp
import numpy as np
import math


def _make_pe(hidden_dim, max_len=5000):
    position = np.arange(max_len, dtype=np.float32)[:, None]
    div_term = np.exp(np.arange(0, hidden_dim, 2).astype(np.float32) * (-math.log(10000.0) / hidden_dim))
    pe = np.zeros((max_len, hidden_dim), dtype=np.float32)
    pe[:, 0::2] = np.sin(position * div_term)
    pe[:, 1::2] = np.cos(position * div_term)
    return jnp.asarray(pe[None, :, :])


def setup_inputs(seed: int = 0):
    key = jax.random.key(seed)
    ks = jax.random.split(key, 8)
    H = 128
    B, L = 4096, 200
    # month in col0 must be >= 1 (module does month-1); fill=ones keeps all columns in range
    time_features = jnp.ones((B, L, 3), dtype=jnp.int64)
    month_table = 0.02 * jax.random.normal(ks[0], (12, H), dtype=jnp.float32)
    week_table = 0.02 * jax.random.normal(ks[1], (7, H // 2), dtype=jnp.float32)
    holiday_table = 0.02 * jax.random.normal(ks[2], (2, H // 4), dtype=jnp.float32)
    W_week = 0.02 * jax.random.normal(ks[3], (H // 2, H), dtype=jnp.float32)
    b_week = jnp.zeros((H,), dtype=jnp.float32)
    W_holiday = 0.02 * jax.random.normal(ks[4], (H // 4, H), dtype=jnp.float32)
    b_holiday = jnp.zeros((H,), dtype=jnp.float32)
    pe = _make_pe(H)
    return {
        "time_features": time_features,
        "month_table": month_table,
        "week_table": week_table,
        "holiday_table": holiday_table,
        "W_week": W_week,
        "b_week": b_week,
        "W_holiday": W_holiday,
        "b_holiday": b_holiday,
        "pe": pe,
    }


def reference(time_features, month_table, week_table, holiday_table, W_week, b_week, W_holiday, b_holiday, pe):
    tf = time_features.astype(jnp.int32)
    month_emb = jnp.take(month_table, tf[..., 0] - 1, axis=0)
    week_emb = jnp.take(week_table, tf[..., 1], axis=0)
    holiday_emb = jnp.take(holiday_table, tf[..., 2], axis=0)
    week_emb = week_emb @ W_week + b_week
    holiday_emb = holiday_emb @ W_holiday + b_holiday
    combined = month_emb + week_emb + holiday_emb
    return combined + pe[:, : combined.shape[1]]

if __name__ == "__main__":
    import jax
    _d = setup_inputs()
    print(jax.jit(kernel)(*tuple(_d.values())))

</pallas_src>

<mosaic_0001>
#map = affine_map<(d0, d1) -> (0, 0)>
#map1 = affine_map<(d0, d1) -> (0, 0, 0)>
module attributes {stable_mosaic.version = 14 : i64} {
  func.func @_gather_body(%arg0: i32, %arg1: i32, %arg2: memref<33600x128xf32, #tpu.memory_space<hbm>>, %arg3: memref<32x25x128xi32, #tpu.memory_space<hbm>>, %arg4: memref<102400x128xf32, #tpu.memory_space<hbm>>, %arg5: memref<25x128xi32, #tpu.memory_space<vmem>>, %arg6: memref<4x128x128xf32, #tpu.memory_space<vmem>>, %arg7: memref<!tpu.dma_semaphore, #tpu.memory_space<semaphore_mem>>, %arg8: memref<!tpu.dma_semaphore, #tpu.memory_space<semaphore_mem>>, %arg9: memref<!tpu.dma_semaphore, #tpu.memory_space<semaphore_mem>>, %arg10: memref<!tpu.dma_semaphore, #tpu.memory_space<semaphore_mem>>, %arg11: memref<!tpu.dma_semaphore, #tpu.memory_space<semaphore_mem>>, %arg12: memref<!tpu.dma_semaphore, #tpu.memory_space<semaphore_mem>>, %arg13: memref<!tpu.dma_semaphore, #tpu.memory_space<semaphore_mem>>, %arg14: memref<!tpu.dma_semaphore, #tpu.memory_space<semaphore_mem>>) attributes {dimension_semantics = [#tpu.dimension_semantics<core_parallel>, #tpu.dimension_semantics<subcore_parallel>], iteration_bounds = array<i64: 2, 16>, scalar_prefetch = 0 : i64, scratch_operands = 10 : i64, tpu.core_type = #tpu.core_type<sc_vector_subcore>, window_params = [{transform_indices = #map}, {transform_indices = #map1}, {transform_indices = #map}]} {
    %mul3A = arith.constant 2 : i32
    %mul3A_0 = arith.muli %arg1, %mul3A : i32
    %add3A = arith.addi %mul3A_0, %arg0 : i32
    "tpu.region"() ({
      %run_scoped3A = tpu.sem_alloc : memref<!tpu.dma_semaphore, #tpu.memory_space<semaphore_mem>>
      %dma_start3A_283 = arith.constant 0 : i32
      %dma_start3A_284 = arith.constant 0 : i32
      %dma_start3A_285 = tpu.memref_slice %arg3[%add3A, %dma_start3A_283, %dma_start3A_284] : memref<32x25x128xi32, #tpu.memory_space<hbm>> -> memref<1x25x128xi32, #tpu.memory_space<hbm>>
      %dma_start3A_286 = tpu.memref_squeeze %dma_start3A_285 : memref<1x25x128xi32, #tpu.memory_space<hbm>> -> memref<25x128xi32, #tpu.memory_space<hbm>>
      %dma_start3A_287 = arith.constant 0 : i32
      %dma_start3A_288 = arith.constant 0 : i32
      %dma_start3A_289 = tpu.memref_slice %arg3[%add3A, %dma_start3A_287, %dma_start3A_288] : memref<32x25x128xi32, #tpu.memory_space<hbm>> -> memref<1x25x128xi32, #tpu.memory_space<hbm>>
      %dma_start3A_290 = tpu.memref_squeeze %dma_start3A_289 : memref<1x25x128xi32, #tpu.memory_space<hbm>> -> memref<25x128xi32, #tpu.memory_space<hbm>>
      tpu.enqueue_dma source(%dma_start3A_290 : memref<25x128xi32, #tpu.memory_space<hbm>>) target(%arg5 : memref<25x128xi32, #tpu.memory_space<vmem>>) target_semaphore(%run_scoped3A : memref<!tpu.dma_semaphore, #tpu.memory_space<semaphore_mem>>)
      %dma_wait3A_291 = arith.constant 0 : i32
      %dma_wait3A_292 = arith.constant 0 : i32
      %dma_wait3A_293 = tpu.memref_slice %arg3[%add3A, %dma_wait3A_291, %dma_wait3A_292] : memref<32x25x128xi32, #tpu.memory_space<hbm>> -> memref<1x25x128xi32, #tpu.memory_space<hbm>>
      %dma_wait3A_294 = tpu.memref_squeeze %dma_wait3A_293 : memref<1x25x128xi32, #tpu.memory_space<hbm>> -> memref<25x128xi32, #tpu.memory_space<hbm>>
      %dma_wait3A_295 = arith.constant 0 : i32
      %dma_wait3A_296 = arith.constant 0 : i32
      %dma_wait3A_297 = tpu.memref_slice %arg3[%add3A, %dma_wait3A_295, %dma_wait3A_296] : memref<32x25x128xi32, #tpu.memory_space<hbm>> -> memref<1x25x128xi32, #tpu.memory_space<hbm>>
      %dma_wait3A_298 = tpu.memref_squeeze %dma_wait3A_297 : memref<1x25x128xi32, #tpu.memory_space<hbm>> -> memref<25x128xi32, #tpu.memory_space<hbm>>
      tpu.wait_dma2 semaphore(%run_scoped3A : memref<!tpu.dma_semaphore, #tpu.memory_space<semaphore_mem>>) src(%dma_wait3A_298 : memref<25x128xi32, #tpu.memory_space<hbm>>) dst(%arg5 : memref<25x128xi32, #tpu.memory_space<vmem>>)
      tpu.yield
    }) : () -> ()
    %mul3A_1 = arith.constant 25 : i32
    %mul3A_2 = arith.muli %add3A, %mul3A_1 : i32
    %mul3A_3 = arith.constant 128 : i32
    %mul3A_4 = arith.muli %mul3A_2, %mul3A_3 : i32
    %dma_start3A = arith.constant 0 : i32
    %dma_start3A_5 = arith.constant 0 : i32
    %dma_start3A_6 = arith.constant 0 : i32
    %dma_start3A_7 = arith.constant 0 : i32
    %dma_start3A_8 = tpu.memref_slice %arg6[%dma_start3A_5, %dma_start3A_6, %dma_start3A_7] : memref<4x128x128xf32, #tpu.memory_space<vmem>> -> memref<1x128x128xf32, #tpu.memory_space<vmem>>
    %dma_start3A_9 = tpu.memref_squeeze %dma_start3A_8 : memref<1x128x128xf32, #tpu.memory_space<vmem>> -> memref<128x128xf32, #tpu.memory_space<vmem>>
    %dma_start3A_10 = arith.constant 0 : i32
    %dma_start3A_11 = tpu.memref_slice %arg5[%dma_start3A, %dma_start3A_10] : memref<25x128xi32, #tpu.memory_space<vmem>> -> memref<1x128xi32, #tpu.memory_space<vmem>>
    %dma_start3A_12 = tpu.memref_squeeze %dma_start3A_11 : memref<1x128xi32, #tpu.memory_space<vmem>> -> memref<128xi32, #tpu.memory_space<vmem>>
    %dma_start3A_13 = arith.constant 0 : i32
    %dma_start3A_14 = arith.constant 0 : i32
    %dma_start3A_15 = tpu.memref_slice %arg2[%dma_start3A_13, %dma_start3A_14] : memref<33600x128xf32, #tpu.memory_space<hbm>> -> memref<33600x128xf32, #tpu.memory_space<hbm>>
    tpu.enqueue_indirect_dma source(%dma_start3A_15 : memref<33600x128xf32, #tpu.memory_space<hbm>>) target(%dma_start3A_9 : memref<128x128xf32, #tpu.memory_space<vmem>>) offsets(%dma_start3A_12 : memref<128xi32, #tpu.memory_space<vmem>>) semaphore(%arg7 : memref<!tpu.dma_semaphore, #tpu.memory_space<semaphore_mem>>)
    %dma_start3A_16 = arith.constant 1 : i32
    %dma_start3A_17 = arith.constant 1 : i32
    %dma_start3A_18 = arith.constant 0 : i32
    %dma_start3A_19 = arith.constant 0 : i32
    %dma_start3A_20 = tpu.memref_slice %arg6[%dma_start3A_17, %dma_start3A_18, %dma_start3A_19] : memref<4x128x128xf32, #tpu.memory_space<vmem>> -> memref<1x128x128xf32, #tpu.memory_space<vmem>>
    %dma_start3A_21 = tpu.memref_squeeze %dma_start3A_20 : memref<1x128x128xf32, #tpu.memory_space<vmem>> -> memref<128x128xf32, #tpu.memory_space<vmem>>
    %dma_start3A_22 = arith.constant 0 : i32
    %dma_start3A_23 = tpu.memref_slice %arg5[%dma_start3A_16, %dma_start3A_22] : memref<25x128xi32, #tpu.memory_space<vmem>> -> memref<1x128xi32, #tpu.memory_space<vmem>>
    %dma_start3A_24 = tpu.memref_squeeze %dma_start3A_23 : memref<1x128xi32, #tpu.memory_space<vmem>> -> memref<128xi32, #tpu.memory_space<vmem>>
    %dma_start3A_25 = arith.constant 0 : i32
    %dma_start3A_26 = arith.constant 0 : i32
    %dma_start3A_27 = tpu.memref_slice %arg2[%dma_start3A_25, %dma_start3A_26] : memref<33600x128xf32, #tpu.memory_space<hbm>> -> memref<33600x128xf32, #tpu.memory_space<hbm>>
    tpu.enqueue_indirect_dma source(%dma_start3A_27 : memref<33600x128xf32, #tpu.memory_space<hbm>>) target(%dma_start3A_21 : memref<128x128xf32, #tpu.memory_space<vmem>>) offsets(%dma_start3A_24 : memref<128xi32, #tpu.memory_space<vmem>>) semaphore(%arg8 : memref<!tpu.dma_semaphore, #tpu.memory_space<semaphore_mem>>)
    %dma_start3A_28 = arith.constant 2 : i32
    %dma_start3A_29 = arith.constant 2 : i32
    %dma_start3A_30 = arith.constant 0 : i32
    %dma_start3A_31 = arith.constant 0 : i32
    %dma_start3A_32 = tpu.memref_slice %arg6[%dma_start3A_29, %dma_start3A_30, %dma_start3A_31] : memref<4x128x128xf32, #tpu.memory_space<vmem>> -> memref<1x128x128xf32, #tpu.memory_space<vmem>>
    %dma_start3A_33 = tpu.memref_squeeze %dma_start3A_32 : memref<1x128x128xf32, #tpu.memory_space<vmem>> -> memref<128x128xf32, #tpu.memory_space<vmem>>
    %dma_start3A_34 = arith.constant 0 : i32
    %dma_start3A_35 = tpu.memref_slice %arg5[%dma_start3A_28, %dma_start3A_34] : memref<25x128xi32, #tpu.memory_space<vmem>> -> memref<1x128xi32, #tpu.memory_space<vmem>>
    %dma_start3A_36 = tpu.memref_squeeze %dma_start3A_35 : memref<1x128xi32, #tpu.memory_space<vmem>> -> memref<128xi32, #tpu.memory_space<vmem>>
    %dma_start3A_37 = arith.constant 0 : i32
    %dma_start3A_38 = arith.constant 0 : i32
    %dma_start3A_39 = tpu.memref_slice %arg2[%dma_start3A_37, %dma_start3A_38] : memref<33600x128xf32, #tpu.memory_space<hbm>> -> memref<33600x128xf32, #tpu.memory_space<hbm>>
    tpu.enqueue_indirect_dma source(%dma_start3A_39 : memref<33600x128xf32, #tpu.memory_space<hbm>>) target(%dma_start3A_33 : memref<128x128xf32, #tpu.memory_space<vmem>>) offsets(%dma_start3A_36 : memref<128xi32, #tpu.memory_space<vmem>>) semaphore(%arg9 : memref<!tpu.dma_semaphore, #tpu.memory_space<semaphore_mem>>)
    %dma_wait3A = arith.constant 0 : i32
    %dma_wait3A_40 = arith.constant 0 : i32
    %dma_wait3A_41 = arith.constant 0 : i32
    %dma_wait3A_42 = tpu.memref_slice %arg6[%dma_wait3A, %dma_wait3A_40, %dma_wait3A_41] : memref<4x128x128xf32, #tpu.memory_space<vmem>> -> memref<1x128x128xf32, #tpu.memory_space<vmem>>
    %dma_wait3A_43 = tpu.memref_squeeze %dma_wait3A_42 : memref<1x128x128xf32, #tpu.memory_space<vmem>> -> memref<128x128xf32, #tpu.memory_space<vmem>>
    %dma_wait3A_44 = arith.constant 0 : i32
    %dma_wait3A_45 = arith.constant 0 : i32
    %dma_wait3A_46 = tpu.memref_slice %arg2[%dma_wait3A_44, %dma_wait3A_45] : memref<33600x128xf32, #tpu.memory_space<hbm>> -> memref<128x128xf32, #tpu.memory_space<hbm>>
    %dma_wait3A_47 = arith.constant 0 : i32
    %dma_wait3A_48 = arith.constant 0 : i32
    %dma_wait3A_49 = tpu.memref_slice %arg6[%dma_wait3A, %dma_wait3A_47, %dma_wait3A_48] : memref<4x128x128xf32, #tpu.memory_space<vmem>> -> memref<1x128x128xf32, #tpu.memory_space<vmem>>
    %dma_wait3A_50 = tpu.memref_squeeze %dma_wait3A_49 : memref<1x128x128xf32, #tpu.memory_space<vmem>> -> memref<128x128xf32, #tpu.memory_space<vmem>>
    %dma_wait3A_51 = arith.constant 0 : i32
    %dma_wait3A_52 = arith.constant 0 : i32
    %dma_wait3A_53 = tpu.memref_slice %arg2[%dma_wait3A_51, %dma_wait3A_52] : memref<33600x128xf32, #tpu.memory_space<hbm>> -> memref<128x128xf32, #tpu.memory_space<hbm>>
    tpu.wait_dma2 semaphore(%arg7 : memref<!tpu.dma_semaphore, #tpu.memory_space<semaphore_mem>>) src(%dma_wait3A_53 : memref<128x128xf32, #tpu.memory_space<hbm>>) dst(%dma_wait3A_50 : memref<128x128xf32, #tpu.memory_space<vmem>>)
    %add3A_54 = arith.constant 0 : i32
    %add3A_55 = arith.addi %mul3A_4, %add3A_54 : i32
    %dma_start3A_56 = arith.constant 0 : i32
    %dma_start3A_57 = arith.constant 0 : i32
    %dma_start3A_58 = arith.constant 0 : i32
    %dma_start3A_59 = tpu.memref_slice %arg6[%dma_start3A_56, %dma_start3A_57, %dma_start3A_58] : memref<4x128x128xf32, #tpu.memory_space<vmem>> -> memref<1x128x128xf32, #tpu.memory_space<vmem>>
    %dma_start3A_60 = tpu.memref_squeeze %dma_start3A_59 : memref<1x128x128xf32, #tpu.memory_space<vmem>> -> memref<128x128xf32, #tpu.memory_space<vmem>>
    %dma_start3A_61 = arith.constant 0 : i32
    %dma_start3A_62 = tpu.memref_slice %arg4[%add3A_55, %dma_start3A_61] : memref<102400x128xf32, #tpu.memory_space<hbm>> -> memref<128x128xf32, #tpu.memory_space<hbm>>
    %dma_start3A_63 = arith.constant 0 : i32
    %dma_start3A_64 = tpu.memref_slice %arg4[%add3A_55, %dma_start3A_63] : memref<102400x128xf32, #tpu.memory_space<hbm>> -> memref<128x128xf32, #tpu.memory_space<hbm>>
    %dma_start3A_65 = arith.constant 0 : i32
    %dma_start3A_66 = arith.constant 0 : i32
    %dma_start3A_67 = tpu.memref_slice %arg6[%dma_start3A_56, %dma_start3A_65, %dma_start3A_66] : memref<4x128x128xf32, #tpu.memory_space<vmem>> -> memref<1x128x128xf32, #tpu.memory_space<vmem>>
    %dma_start3A_68 = tpu.memref_squeeze %dma_start3A_67 : memref<1x128x128xf32, #tpu.memory_space<vmem>> -> memref<128x128xf32, #tpu.memory_space<vmem>>
    tpu.enqueue_dma source(%dma_start3A_68 : memref<128x128xf32, #tpu.memory_space<vmem>>) target(%dma_start3A_64 : memref<128x128xf32, #tpu.memory_space<hbm>>) target_semaphore(%arg11 : memref<!tpu.dma_semaphore, #tpu.memory_space<semaphore_mem>>)
    %dma_start3A_69 = arith.constant 3 : i32
    %dma_start3A_70 = arith.constant 3 : i32
    %dma_start3A_71 = arith.constant 0 : i32
    %dma_start3A_72 = arith.constant 0 : i32
    %dma_start3A_73 = tpu.memref_slice %arg6[%dma_start3A_70, %dma_start3A_71, %dma_start3A_72] : memref<4x128x128xf32, #tpu.memory_space<vmem>> -> memref<1x128x128xf32, #tpu.memory_space<vmem>>
    %dma_start3A_74 = tpu.memref_squeeze %dma_start3A_73 : memref<1x128x128xf32, #tpu.memory_space<vmem>> -> memref<128x128xf32, #tpu.memory_space<vmem>>
    %dma_start3A_75 = arith.constant 0 : i32
    %dma_start3A_76 = tpu.memref_slice %arg5[%dma_start3A_69, %dma_start3A_75] : memref<25x128xi32, #tpu.memory_space<vmem>> -> memref<1x128xi32, #tpu.memory_space<vmem>>
    %dma_start3A_77 = tpu.memref_squeeze %dma_start3A_76 : memref<1x128xi32, #tpu.memory_space<vmem>> -> memref<128xi32, #tpu.memory_space<vmem>>
    %dma_start3A_78 = arith.constant 0 : i32
    %dma_start3A_79 = arith.constant 0 : i32
    %dma_start3A_80 = tpu.memref_slice %arg2[%dma_start3A_78, %dma_start3A_79] : memref<33600x128xf32, #tpu.memory_space<hbm>> -> memref<33600x128xf32, #tpu.memory_space<hbm>>
    tpu.enqueue_indirect_dma source(%dma_start3A_80 : memref<33600x128xf32, #tpu.memory_space<hbm>>) target(%dma_start3A_74 : memref<128x128xf32, #tpu.memory_space<vmem>>) offsets(%dma_start3A_77 : memref<128xi32, #tpu.memory_space<vmem>>) semaphore(%arg10 : memref<!tpu.dma_semaphore, #tpu.memory_space<semaphore_mem>>)
    %dma_wait3A_81 = arith.constant 1 : i32
    %dma_wait3A_82 = arith.constant 0 : i32
    %dma_wait3A_83 = arith.constant 0 : i32
    %dma_wait3A_84 = tpu.memref_slice %arg6[%dma_wait3A_81, %dma_wait3A_82, %dma_wait3A_83] : memref<4x128x128xf32, #tpu.memory_space<vmem>> -> memref<1x128x128xf32, #tpu.memory_space<vmem>>
    %dma_wait3A_85 = tpu.memref_squeeze %dma_wait3A_84 : memref<1x128x128xf32, #tpu.memory_space<vmem>> -> memref<128x128xf32, #tpu.memory_space<vmem>>
    %dma_wait3A_86 = arith.constant 0 : i32
    %dma_wait3A_87 = arith.constant 0 : i32
    %dma_wait3A_88 = tpu.memref_slice %arg2[%dma_wait3A_86, %dma_wait3A_87] : memref<33600x128xf32, #tpu.memory_space<hbm>> -> memref<128x128xf32, #tpu.memory_space<hbm>>
    %dma_wait3A_89 = arith.constant 0 : i32
    %dma_wait3A_90 = arith.constant 0 : i32
    %dma_wait3A_91 = tpu.memref_slice %arg6[%dma_wait3A_81, %dma_wait3A_89, %dma_wait3A_90] : memref<4x128x128xf32, #tpu.memory_space<vmem>> -> memref<1x128x128xf32, #tpu.memory_space<vmem>>
    %dma_wait3A_92 = tpu.memref_squeeze %dma_wait3A_91 : memref<1x128x128xf32, #tpu.memory_space<vmem>> -> memref<128x128xf32, #tpu.memory_space<vmem>>
    %dma_wait3A_93 = arith.constant 0 : i32
    %dma_wait3A_94 = arith.constant 0 : i32
    %dma_wait3A_95 = tpu.memref_slice %arg2[%dma_wait3A_93, %dma_wait3A_94] : memref<33600x128xf32, #tpu.memory_space<hbm>> -> memref<128x128xf32, #tpu.memory_space<hbm>>
    tpu.wait_dma2 semaphore(%arg8 : memref<!tpu.dma_semaphore, #tpu.memory_space<semaphore_mem>>) src(%dma_wait3A_95 : memref<128x128xf32, #tpu.memory_space<hbm>>) dst(%dma_wait3A_92 : memref<128x128xf32, #tpu.memory_space<vmem>>)
    %add3A_96 = arith.constant 128 : i32
    %add3A_97 = arith.addi %mul3A_4, %add3A_96 : i32
    %dma_start3A_98 = arith.constant 1 : i32
    %dma_start3A_99 = arith.constant 0 : i32
    %dma_start3A_100 = arith.constant 0 : i32
    %dma_start3A_101 = tpu.memref_slice %arg6[%dma_start3A_98, %dma_start3A_99, %dma_start3A_100] : memref<4x128x128xf32, #tpu.memory_space<vmem>> -> memref<1x128x128xf32, #tpu.memory_space<vmem>>
    %dma_start3A_102 = tpu.memref_squeeze %dma_start3A_101 : memref<1x128x128xf32, #tpu.memory_space<vmem>> -> memref<128x128xf32, #tpu.memory_space<vmem>>
    %dma_start3A_103 = arith.constant 0 : i32
    %dma_start3A_104 = tpu.memref_slice %arg4[%add3A_97, %dma_start3A_103] : memref<102400x128xf32, #tpu.memory_space<hbm>> -> memref<128x128xf32, #tpu.memory_space<hbm>>
    %dma_start3A_105 = arith.constant 0 : i32
    %dma_start3A_106 = tpu.memref_slice %arg4[%add3A_97, %dma_start3A_105] : memref<102400x128xf32, #tpu.memory_space<hbm>> -> memref<128x128xf32, #tpu.memory_space<hbm>>
    %dma_start3A_107 = arith.constant 0 : i32
    %dma_start3A_108 = arith.constant 0 : i32
    %dma_start3A_109 = tpu.memref_slice %arg6[%dma_start3A_98, %dma_start3A_107, %dma_start3A_108] : memref<4x128x128xf32, #tpu.memory_space<vmem>> -> memref<1x128x128xf32, #tpu.memory_space<vmem>>
    %dma_start3A_110 = tpu.memref_squeeze %dma_start3A_109 : memref<1x128x128xf32, #tpu.memory_space<vmem>> -> memref<128x128xf32, #tpu.memory_space<vmem>>
    tpu.enqueue_dma source(%dma_start3A_110 : memref<128x128xf32, #tpu.memory_space<vmem>>) target(%dma_start3A_106 : memref<128x128xf32, #tpu.memory_space<hbm>>) target_semaphore(%arg12 : memref<!tpu.dma_semaphore, #tpu.memory_space<semaphore_mem>>)
    %scan3A = arith.constant 0 : i32
    %scan3A_111 = arith.constant 0 : i32
    %scan3A_112 = arith.constant 5 : i32
    %scan3A_113 = arith.addi %scan3A_111, %scan3A_112 : i32
    %scan3A_114 = arith.constant 1 : i32
    scf.for %scan3A_283 = %scan3A_111 to %scan3A_113 step %scan3A_114  : i32 {
      %mul3A_284 = arith.constant 4 : i32
      %mul3A_285 = arith.muli %scan3A_283, %mul3A_284 : i32
      %add3A_286 = arith.constant 2 : i32
      %add3A_287 = arith.addi %add3A_286, %mul3A_285 : i32
      %add3A_288 = arith.constant 0 : i32
      %add3A_289 = arith.addi %add3A_287, %add3A_288 : i32
      %dma_wait3A_290 = arith.constant 0 : i32
      %dma_wait3A_291 = arith.constant 0 : i32
      %dma_wait3A_292 = arith.constant 0 : i32
      %dma_wait3A_293 = tpu.memref_slice %arg6[%dma_wait3A_290, %dma_wait3A_291, %dma_wait3A_292] : memref<4x128x128xf32, #tpu.memory_space<vmem>> -> memref<1x128x128xf32, #tpu.memory_space<vmem>>
      %dma_wait3A_294 = tpu.memref_squeeze %dma_wait3A_293 : memref<1x128x128xf32, #tpu.memory_space<vmem>> -> memref<128x128xf32, #tpu.memory_space<vmem>>
      %dma_wait3A_295 = arith.constant 0 : i32
      %dma_wait3A_296 = tpu.memref_slice %arg4[%mul3A_4, %dma_wait3A_295] : memref<102400x128xf32, #tpu.memory_space<hbm>> -> memref<128x128xf32, #tpu.memory_space<hbm>>
      %dma_wait3A_297 = arith.constant 0 : i32
      %dma_wait3A_298 = tpu.memref_slice %arg4[%mul3A_4, %dma_wait3A_297] : memref<102400x128xf32, #tpu.memory_space<hbm>> -> memref<128x128xf32, #tpu.memory_space<hbm>>
      %dma_wait3A_299 = arith.constant 0 : i32
      %dma_wait3A_300 = arith.constant 0 : i32
      %dma_wait3A_301 = tpu.memref_slice %arg6[%dma_wait3A_290, %dma_wait3A_299, %dma_wait3A_300] : memref<4x128x128xf32, #tpu.memory_space<vmem>> -> memref<1x128x128xf32, #tpu.memory_space<vmem>>
      %dma_wait3A_302 = tpu.memref_squeeze %dma_wait3A_301 : memref<1x128x128xf32, #tpu.memory_space<vmem>> -> memref<128x128xf32, #tpu.memory_space<vmem>>
      tpu.wait_dma2 semaphore(%arg11 : memref<!tpu.dma_semaphore, #tpu.memory_space<semaphore_mem>>) src(%dma_wait3A_302 : memref<128x128xf32, #tpu.memory_space<vmem>>) dst(%dma_wait3A_298 : memref<128x128xf32, #tpu.memory_space<hbm>>)
      %add3A_303 = arith.constant 2 : i32
      %add3A_304 = arith.addi %add3A_289, %add3A_303 : i32
      %dma_start3A_305 = arith.constant 0 : i32
      %dma_start3A_306 = arith.constant 0 : i32
      %dma_start3A_307 = arith.constant 0 : i32
      %dma_start3A_308 = tpu.memref_slice %arg6[%dma_start3A_305, %dma_start3A_306, %dma_start3A_307] : memref<4x128x128xf32, #tpu.memory_space<vmem>> -> memref<1x128x128xf32, #tpu.memory_space<vmem>>
      %dma_start3A_309 = tpu.memref_squeeze %dma_start3A_308 : memref<1x128x128xf32, #tpu.memory_space<vmem>> -> memref<128x128xf32, #tpu.memory_space<vmem>>
      %dma_start3A_310 = arith.constant 0 : i32
      %dma_start3A_311 = tpu.memref_slice %arg5[%add3A_304, %dma_start3A_310] : memref<25x128xi32, #tpu.memory_space<vmem>> -> memref<1x128xi32, #tpu.memory_space<vmem>>
      %dma_start3A_312 = tpu.memref_squeeze %dma_start3A_311 : memref<1x128xi32, #tpu.memory_space<vmem>> -> memref<128xi32, #tpu.memory_space<vmem>>
      %dma_start3A_313 = arith.constant 0 : i32
      %dma_start3A_314 = arith.constant 0 : i32
      %dma_start3A_315 = tpu.memref_slice %arg2[%dma_start3A_313, %dma_start3A_314] : memref<33600x128xf32, #tpu.memory_space<hbm>> -> memref<33600x128xf32, #tpu.memory_space<hbm>>
      tpu.enqueue_indirect_dma source(%dma_start3A_315 : memref<33600x128xf32, #tpu.memory_space<hbm>>) target(%dma_start3A_309 : memref<128x128xf32, #tpu.memory_space<vmem>>) offsets(%dma_start3A_312 : memref<128xi32, #tpu.memory_space<vmem>>) semaphore(%arg7 : memref<!tpu.dma_semaphore, #tpu.memory_space<semaphore_mem>>)
      %dma_wait3A_316 = arith.constant 2 : i32
      %dma_wait3A_317 = arith.constant 0 : i32
      %dma_wait3A_318 = arith.constant 0 : i32
      %dma_wait3A_319 = tpu.memref_slice %arg6[%dma_wait3A_316, %dma_wait3A_317, %dma_wait3A_318] : memref<4x128x128xf32, #tpu.memory_space<vmem>> -> memref<1x128x128xf32, #tpu.memory_space<vmem>>
      %dma_wait3A_320 = tpu.memref_squeeze %dma_wait3A_319 : memref<1x128x128xf32, #tpu.memory_space<vmem>> -> memref<128x128xf32, #tpu.memory_space<vmem>>
      %dma_wait3A_321 = arith.constant 0 : i32
      %dma_wait3A_322 = arith.constant 0 : i32
      %dma_wait3A_323 = tpu.memref_slice %arg2[%dma_wait3A_321, %dma_wait3A_322] : memref<33600x128xf32, #tpu.memory_space<hbm>> -> memref<128x128xf32, #tpu.memory_space<hbm>>
      %dma_wait3A_324 = arith.constant 0 : i32
      %dma_wait3A_325 = arith.constant 0 : i32
      %dma_wait3A_326 = tpu.memref_slice %arg6[%dma_wait3A_316, %dma_wait3A_324, %dma_wait3A_325] : memref<4x128x128xf32, #tpu.memory_space<vmem>> -> memref<1x128x128xf32, #tpu.memory_space<vmem>>
      %dma_wait3A_327 = tpu.memref_squeeze %dma_wait3A_326 : memref<1x128x128xf32, #tpu.memory_space<vmem>> -> memref<128x128xf32, #tpu.memory_space<vmem>>
      %dma_wait3A_328 = arith.constant 0 : i32
      %dma_wait3A_329 = arith.constant 0 : i32
      %dma_wait3A_330 = tpu.memref_slice %arg2[%dma_wait3A_328, %dma_wait3A_329] : memref<33600x128xf32, #tpu.memory_space<hbm>> -> memref<128x128xf32, #tpu.memory_space<hbm>>
      tpu.wait_dma2 semaphore(%arg9 : memref<!tpu.dma_semaphore, #tpu.memory_space<semaphore_mem>>) src(%dma_wait3A_330 : memref<128x128xf32, #tpu.memory_space<hbm>>) dst(%dma_wait3A_327 : memref<128x128xf32, #tpu.memory_space<vmem>>)
      %mul3A_331 = arith.constant 128 : i32
      %mul3A_332 = arith.muli %add3A_289, %mul3A_331 : i32
      %add3A_333 = arith.addi %mul3A_4, %mul3A_332 : i32
      %dma_start3A_334 = arith.constant 2 : i32
      %dma_start3A_335 = arith.constant 0 : i32
      %dma_start3A_336 = arith.constant 0 : i32
      %dma_start3A_337 = tpu.memref_slice %arg6[%dma_start3A_334, %dma_start3A_335, %dma_start3A_336] : memref<4x128x128xf32, #tpu.memory_space<vmem>> -> memref<1x128x128xf32, #tpu.memory_space<vmem>>
      %dma_start3A_338 = tpu.memref_squeeze %dma_start3A_337 : memref<1x128x128xf32, #tpu.memory_space<vmem>> -> memref<128x128xf32, #tpu.memory_space<vmem>>
      %dma_start3A_339 = arith.constant 0 : i32
      %dma_start3A_340 = tpu.memref_slice %arg4[%add3A_333, %dma_start3A_339] : memref<102400x128xf32, #tpu.memory_space<hbm>> -> memref<128x128xf32, #tpu.memory_space<hbm>>
      %dma_start3A_341 = arith.constant 0 : i32
      %dma_start3A_342 = tpu.memref_slice %arg4[%add3A_333, %dma_start3A_341] : memref<102400x128xf32, #tpu.memory_space<hbm>> -> memref<128x128xf32, #tpu.memory_space<hbm>>
      %dma_start3A_343 = arith.constant 0 : i32
      %dma_start3A_344 = arith.constant 0 : i32
      %dma_start3A_345 = tpu.memref_slice %arg6[%dma_start3A_334, %dma_start3A_343, %dma_start3A_344] : memref<4x128x128xf32, #tpu.memory_space<vmem>> -> memref<1x128x128xf32, #tpu.memory_space<vmem>>
      %dma_start3A_346 = tpu.memref_squeeze %dma_start3A_345 : memref<1x128x128xf32, #tpu.memory_space<vmem>> -> memref<128x128xf32, #tpu.memory_space<vmem>>
      tpu.enqueue_dma source(%dma_start3A_346 : memref<128x128xf32, #tpu.memory_space<vmem>>) target(%dma_start3A_342 : memref<128x128xf32, #tpu.memory_space<hbm>>) target_semaphore(%arg13 : memref<!tpu.dma_semaphore, #tpu.memory_space<semaphore_mem>>)
      %mul3A_347 = arith.constant 4 : i32
      %mul3A_348 = arith.muli %scan3A_283, %mul3A_347 : i32
      %add3A_349 = arith.constant 2 : i32
      %add3A_350 = arith.addi %add3A_349, %mul3A_348 : i32
      %add3A_351 = arith.constant 1 : i32
      %add3A_352 = arith.addi %add3A_350, %add3A_351 : i32
      %dma_wait3A_353 = arith.constant 1 : i32
      %dma_wait3A_354 = arith.constant 0 : i32
      %dma_wait3A_355 = arith.constant 0 : i32
      %dma_wait3A_356 = tpu.memref_slice %arg6[%dma_wait3A_353, %dma_wait3A_354, %dma_wait3A_355] : memref<4x128x128xf32, #tpu.memory_space<vmem>> -> memref<1x128x128xf32, #tpu.memory_space<vmem>>
      %dma_wait3A_357 = tpu.memref_squeeze %dma_wait3A_356 : memref<1x128x128xf32, #tpu.memory_space<vmem>> -> memref<128x128xf32, #tpu.memory_space<vmem>>
      %dma_wait3A_358 = arith.constant 0 : i32
      %dma_wait3A_359 = tpu.memref_slice %arg4[%mul3A_4, %dma_wait3A_358] : memref<102400x128xf32, #tpu.memory_space<hbm>> -> memref<128x128xf32, #tpu.memory_space<hbm>>
      %dma_wait3A_360 = arith.constant 0 : i32
      %dma_wait3A_361 = tpu.memref_slice %arg4[%mul3A_4, %dma_wait3A_360] : memref<102400x128xf32, #tpu.memory_space<hbm>> -> memref<128x128xf32, #tpu.memory_space<hbm>>
      %dma_wait3A_362 = arith.constant 0 : i32
      %dma_wait3A_363 = arith.constant 0 : i32
      %dma_wait3A_364 = tpu.memref_slice %arg6[%dma_wait3A_353, %dma_wait3A_362, %dma_wait3A_363] : memref<4x128x128xf32, #tpu.memory_space<vmem>> -> memref<1x128x128xf32, #tpu.memory_space<vmem>>
      %dma_wait3A_365 = tpu.memref_squeeze %dma_wait3A_364 : memref<1x128x128xf32, #tpu.memory_space<vmem>> -> memref<128x128xf32, #tpu.memory_space<vmem>>
      tpu.wait_dma2 semaphore(%arg12 : memref<!tpu.dma_semaphore, #tpu.memory_space<semaphore_mem>>) src(%dma_wait3A_365 : memref<128x128xf32, #tpu.memory_space<vmem>>) dst(%dma_wait3A_361 : memref<128x128xf32, #tpu.memory_space<hbm>>)
      %add3A_366 = arith.constant 2 : i32
      %add3A_367 = arith.addi %add3A_352, %add3A_366 : i32
      %dma_start3A_368 = arith.constant 1 : i32
      %dma_start3A_369 = arith.constant 0 : i32
      %dma_start3A_370 = arith.constant 0 : i32
      %dma_start3A_371 = tpu.memref_slice %arg6[%dma_start3A_368, %dma_start3A_369, %dma_start3A_370] : memref<4x128x128xf32, #tpu.memory_space<vmem>> -> memref<1x128x128xf32, #tpu.memory_space<vmem>>
      %dma_start3A_372 = tpu.memref_squeeze %dma_start3A_371 : memref<1x128x128xf32, #tpu.memory_space<vmem>> -> memref<128x128xf32, #tpu.memory_space<vmem>>
      %dma_start3A_373 = arith.constant 0 : i32
      %dma_start3A_374 = tpu.memref_slice %arg5[%add3A_367, %dma_start3A_373] : memref<25x128xi32, #tpu.memory_space<vmem>> -> memref<1x128xi32, #tpu.memory_space<vmem>>
      %dma_start3A_375 = tpu.memref_squeeze %dma_start3A_374 : memref<1x128xi32, #tpu.memory_space<vmem>> -> memref<128xi32, #tpu.memory_space<vmem>>
      %dma_start3A_376 = arith.constant 0 : i32
      %dma_start3A_377 = arith.constant 0 : i32
      %dma_start3A_378 = tpu.memref_slice %arg2[%dma_start3A_376, %dma_start3A_377] : memref<33600x128xf32, #tpu.memory_space<hbm>> -> memref<33600x128xf32, #tpu.memory_space<hbm>>
      tpu.enqueue_indirect_dma source(%dma_start3A_378 : memref<33600x128xf32, #tpu.memory_space<hbm>>) target(%dma_start3A_372 : memref<128x128xf32, #tpu.memory_space<vmem>>) offsets(%dma_start3A_375 : memref<128xi32, #tpu.memory_space<vmem>>) semaphore(%arg8 : memref<!tpu.dma_semaphore, #tpu.memory_space<semaphore_mem>>)
      %dma_wait3A_379 = arith.constant 3 : i32
      %dma_wait3A_380 = arith.constant 0 : i32
      %dma_wait3A_381 = arith.constant 0 : i32
      %dma_wait3A_382 = tpu.memref_slice %arg6[%dma_wait3A_379, %dma_wait3A_380, %dma_wait3A_381] : memref<4x128x128xf32, #tpu.memory_space<vmem>> -> memref<1x128x128xf32, #tpu.memory_space<vmem>>
      %dma_wait3A_383 = tpu.memref_squeeze %dma_wait3A_382 : memref<1x128x128xf32, #tpu.memory_space<vmem>> -> memref<128x128xf32, #tpu.memory_space<vmem>>
      %dma_wait3A_384 = arith.constant 0 : i32
      %dma_wait3A_385 = arith.constant 0 : i32
      %dma_wait3A_386 = tpu.memref_slice %arg2[%dma_wait3A_384, %dma_wait3A_385] : memref<33600x128xf32, #tpu.memory_space<hbm>> -> memref<128x128xf32, #tpu.memory_space<hbm>>
      %dma_wait3A_387 = arith.constant 0 : i32
      %dma_wait3A_388 = arith.constant 0 : i32
      %dma_wait3A_389 = tpu.memref_slice %arg6[%dma_wait3A_379, %dma_wait3A_387, %dma_wait3A_388] : memref<4x128x128xf32, #tpu.memory_space<vmem>> -> memref<1x128x128xf32, #tpu.memory_space<vmem>>
      %dma_wait3A_390 = tpu.memref_squeeze %dma_wait3A_389 : memref<1x128x128xf32, #tpu.memory_space<vmem>> -> memref<128x128xf32, #tpu.memory_space<vmem>>
      %dma_wait3A_391 = arith.constant 0 : i32
      %dma_wait3A_392 = arith.constant 0 : i32
      %dma_wait3A_393 = tpu.memref_slice %arg2[%dma_wait3A_391, %dma_wait3A_392] : memref<33600x128xf32, #tpu.memory_space<hbm>> -> memref<128x128xf32, #tpu.memory_space<hbm>>
      tpu.wait_dma2 semaphore(%arg10 : memref<!tpu.dma_semaphore, #tpu.memory_space<semaphore_mem>>) src(%dma_wait3A_393 : memref<128x128xf32, #tpu.memory_space<hbm>>) dst(%dma_wait3A_390 : memref<128x128xf32, #tpu.memory_space<vmem>>)
      %mul3A_394 = arith.constant 128 : i32
      %mul3A_395 = arith.muli %add3A_352, %mul3A_394 : i32
      %add3A_396 = arith.addi %mul3A_4, %mul3A_395 : i32
      %dma_start3A_397 = arith.constant 3 : i32
      %dma_start3A_398 = arith.constant 0 : i32
      %dma_start3A_399 = arith.constant 0 : i32
      %dma_start3A_400 = tpu.memref_slice %arg6[%dma_start3A_397, %dma_start3A_398, %dma_start3A_399] : memref<4x128x128xf32, #tpu.memory_space<vmem>> -> memref<1x128x128xf32, #tpu.memory_space<vmem>>
      %dma_start3A_401 = tpu.memref_squeeze %dma_start3A_400 : memref<1x128x128xf32, #tpu.memory_space<vmem>> -> memref<128x128xf32, #tpu.memory_space<vmem>>
      %dma_start3A_402 = arith.constant 0 : i32
      %dma_start3A_403 = tpu.memref_slice %arg4[%add3A_396, %dma_start3A_402] : memref<102400x128xf32, #tpu.memory_space<hbm>> -> memref<128x128xf32, #tpu.memory_space<hbm>>
      %dma_start3A_404 = arith.constant 0 : i32
      %dma_start3A_405 = tpu.memref_slice %arg4[%add3A_396, %dma_start3A_404] : memref<102400x128xf32, #tpu.memory_space<hbm>> -> memref<128x128xf32, #tpu.memory_space<hbm>>
      %dma_start3A_406 = arith.constant 0 : i32
      %dma_start3A_407 = arith.constant 0 : i32
      %dma_start3A_408 = tpu.memref_slice %arg6[%dma_start3A_397, %dma_start3A_406, %dma_start3A_407] : memref<4x128x128xf32, #tpu.memory_space<vmem>> -> memref<1x128x128xf32, #tpu.memory_space<vmem>>
      %dma_start3A_409 = tpu.memref_squeeze %dma_start3A_408 : memref<1x128x128xf32, #tpu.memory_space<vmem>> -> memref<128x128xf32, #tpu.memory_space<vmem>>
      tpu.enqueue_dma source(%dma_start3A_409 : memref<128x128xf32, #tpu.memory_space<vmem>>) target(%dma_start3A_405 : memref<128x128xf32, #tpu.memory_space<hbm>>) target_semaphore(%arg14 : memref<!tpu.dma_semaphore, #tpu.memory_space<semaphore_mem>>)
      %mul3A_410 = arith.constant 4 : i32
      %mul3A_411 = arith.muli %scan3A_283, %mul3A_410 : i32
      %add3A_412 = arith.constant 2 : i32
      %add3A_413 = arith.addi %add3A_412, %mul3A_411 : i32
      %add3A_414 = arith.constant 2 : i32
      %add3A_415 = arith.addi %add3A_413, %add3A_414 : i32
      %dma_wait3A_416 = arith.constant 2 : i32
      %dma_wait3A_417 = arith.constant 0 : i32
      %dma_wait3A_418 = arith.constant 0 : i32
      %dma_wait3A_419 = tpu.memref_slice %arg6[%dma_wait3A_416, %dma_wait3A_417, %dma_wait3A_418] : memref<4x128x128xf32, #tpu.memory_space<vmem>> -> memref<1x128x128xf32, #tpu.memory_space<vmem>>
      %dma_wait3A_420 = tpu.memref_squeeze %dma_wait3A_419 : memref<1x128x128xf32, #tpu.memory_space<vmem>> -> memref<128x128xf32, #tpu.memory_space<vmem>>
      %dma_wait3A_421 = arith.constant 0 : i32
      %dma_wait3A_422 = tpu.memref_slice %arg4[%mul3A_4, %dma_wait3A_421] : memref<102400x128xf32, #tpu.memory_space<hbm>> -> memref<128x128xf32, #tpu.memory_space<hbm>>
      %dma_wait3A_423 = arith.constant 0 : i32
      %dma_wait3A_424 = tpu.memref_slice %arg4[%mul3A_4, %dma_wait3A_423] : memref<102400x128xf32, #tpu.memory_space<hbm>> -> memref<128x128xf32, #tpu.memory_space<hbm>>
      %dma_wait3A_425 = arith.constant 0 : i32
      %dma_wait3A_426 = arith.constant 0 : i32
      %dma_wait3A_427 = tpu.memref_slice %arg6[%dma_wait3A_416, %dma_wait3A_425, %dma_wait3A_426] : memref<4x128x128xf32, #tpu.memory_space<vmem>> -> memref<1x128x128xf32, #tpu.memory_space<vmem>>
      %dma_wait3A_428 = tpu.memref_squeeze %dma_wait3A_427 : memref<1x128x128xf32, #tpu.memory_space<vmem>> -> memref<128x128xf32, #tpu.memory_space<vmem>>
      tpu.wait_dma2 semaphore(%arg13 : memref<!tpu.dma_semaphore, #tpu.memory_space<semaphore_mem>>) src(%dma_wait3A_428 : memref<128x128xf32, #tpu.memory_space<vmem>>) dst(%dma_wait3A_424 : memref<128x128xf32, #tpu.memory_space<hbm>>)
      %add3A_429 = arith.constant 2 : i32
      %add3A_430 = arith.addi %add3A_415, %add3A_429 : i32
      %dma_start3A_431 = arith.constant 2 : i32
      %dma_start3A_432 = arith.constant 0 : i32
      %dma_start3A_433 = arith.constant 0 : i32
      %dma_start3A_434 = tpu.memref_slice %arg6[%dma_start3A_431, %dma_start3A_432, %dma_start3A_433] : memref<4x128x128xf32, #tpu.memory_space<vmem>> -> memref<1x128x128xf32, #tpu.memory_space<vmem>>
      %dma_start3A_435 = tpu.memref_squeeze %dma_start3A_434 : memref<1x128x128xf32, #tpu.memory_space<vmem>> -> memref<128x128xf32, #tpu.memory_space<vmem>>
      %dma_start3A_436 = arith.constant 0 : i32
      %dma_start3A_437 = tpu.memref_slice %arg5[%add3A_430, %dma_start3A_436] : memref<25x128xi32, #tpu.memory_space<vmem>> -> memref<1x128xi32, #tpu.memory_space<vmem>>
      %dma_start3A_438 = tpu.memref_squeeze %dma_start3A_437 : memref<1x128xi32, #tpu.memory_space<vmem>> -> memref<128xi32, #tpu.memory_space<vmem>>
      %dma_start3A_439 = arith.constant 0 : i32
      %dma_start3A_440 = arith.constant 0 : i32
      %dma_start3A_441 = tpu.memref_slice %arg2[%dma_start3A_439, %dma_start3A_440] : memref<33600x128xf32, #tpu.memory_space<hbm>> -> memref<33600x128xf32, #tpu.memory_space<hbm>>
      tpu.enqueue_indirect_dma source(%dma_start3A_441 : memref<33600x128xf32, #tpu.memory_space<hbm>>) target(%dma_start3A_435 : memref<128x128xf32, #tpu.memory_space<vmem>>) offsets(%dma_start3A_438 : memref<128xi32, #tpu.memory_space<vmem>>) semaphore(%arg9 : memref<!tpu.dma_semaphore, #tpu.memory_space<semaphore_mem>>)
      %dma_wait3A_442 = arith.constant 0 : i32
      %dma_wait3A_443 = arith.constant 0 : i32
      %dma_wait3A_444 = arith.constant 0 : i32
      %dma_wait3A_445 = tpu.memref_slice %arg6[%dma_wait3A_442, %dma_wait3A_443, %dma_wait3A_444] : memref<4x128x128xf32, #tpu.memory_space<vmem>> -> memref<1x128x128xf32, #tpu.memory_space<vmem>>
      %dma_wait3A_446 = tpu.memref_squeeze %dma_wait3A_445 : memref<1x128x128xf32, #tpu.memory_space<vmem>> -> memref<128x128xf32, #tpu.memory_space<vmem>>
      %dma_wait3A_447 = arith.constant 0 : i32
      %dma_wait3A_448 = arith.constant 0 : i32
      %dma_wait3A_449 = tpu.memref_slice %arg2[%dma_wait3A_447, %dma_wait3A_448] : memref<33600x128xf32, #tpu.memory_space<hbm>> -> memref<128x128xf32, #tpu.memory_space<hbm>>
      %dma_wait3A_450 = arith.constant 0 : i32
      %dma_wait3A_451 = arith.constant 0 : i32
      %dma_wait3A_452 = tpu.memref_slice %arg6[%dma_wait3A_442, %dma_wait3A_450, %dma_wait3A_451] : memref<4x128x128xf32, #tpu.memory_space<vmem>> -> memref<1x128x128xf32, #tpu.memory_space<vmem>>
      %dma_wait3A_453 = tpu.memref_squeeze %dma_wait3A_452 : memref<1x128x128xf32, #tpu.memory_space<vmem>> -> memref<128x128xf32, #tpu.memory_space<vmem>>
      %dma_wait3A_454 = arith.constant 0 : i32
      %dma_wait3A_455 = arith.constant 0 : i32
      %dma_wait3A_456 = tpu.memref_slice %arg2[%dma_wait3A_454, %dma_wait3A_455] : memref<33600x128xf32, #tpu.memory_space<hbm>> -> memref<128x128xf32, #tpu.memory_space<hbm>>
      tpu.wait_dma2 semaphore(%arg7 : memref<!tpu.dma_semaphore, #tpu.memory_space<semaphore_mem>>) src(%dma_wait3A_456 : memref<128x128xf32, #tpu.memory_space<hbm>>) dst(%dma_wait3A_453 : memref<128x128xf32, #tpu.memory_space<vmem>>)
      %mul3A_457 = arith.constant 128 : i32
      %mul3A_458 = arith.muli %add3A_415, %mul3A_457 : i32
      %add3A_459 = arith.addi %mul3A_4, %mul3A_458 : i32
      %dma_start3A_460 = arith.constant 0 : i32
      %dma_start3A_461 = arith.constant 0 : i32
      %dma_start3A_462 = arith.constant 0 : i32
      %dma_start3A_463 = tpu.memref_slice %arg6[%dma_start3A_460, %dma_start3A_461, %dma_start3A_462] : memref<4x128x128xf32, #tpu.memory_space<vmem>> -> memref<1x128x128xf32, #tpu.memory_space<vmem>>
      %dma_start3A_464 = tpu.memref_squeeze %dma_start3A_463 : memref<1x128x128xf32, #tpu.memory_space<vmem>> -> memref<128x128xf32, #tpu.memory_space<vmem>>
      %dma_start3A_465 = arith.constant 0 : i32
      %dma_start3A_466 = tpu.memref_slice %arg4[%add3A_459, %dma_start3A_465] : memref<102400x128xf32, #tpu.memory_space<hbm>> -> memref<128x128xf32, #tpu.memory_space<hbm>>
      %dma_start3A_467 = arith.constant 0 : i32
      %dma_start3A_468 = tpu.memref_slice %arg4[%add3A_459, %dma_start3A_467] : memref<102400x128xf32, #tpu.memory_space<hbm>> -> memref<128x128xf32, #tpu.memory_space<hbm>>
      %dma_start3A_469 = arith.constant 0 : i32
      %dma_start3A_470 = arith.constant 0 : i32
      %dma_start3A_471 = tpu.memref_slice %arg6[%dma_start3A_460, %dma_start3A_469, %dma_start3A_470] : memref<4x128x128xf32, #tpu.memory_space<vmem>> -> memref<1x128x128xf32, #tpu.memory_space<vmem>>
      %dma_start3A_472 = tpu.memref_squeeze %dma_start3A_471 : memref<1x128x128xf32, #tpu.memory_space<vmem>> -> memref<128x128xf32, #tpu.memory_space<vmem>>
      tpu.enqueue_dma source(%dma_start3A_472 : memref<128x128xf32, #tpu.memory_space<vmem>>) target(%dma_start3A_468 : memref<128x128xf32, #tpu.memory_space<hbm>>) target_semaphore(%arg11 : memref<!tpu.dma_semaphore, #tpu.memory_space<semaphore_mem>>)
      %mul3A_473 = arith.constant 4 : i32
      %mul3A_474 = arith.muli %scan3A_283, %mul3A_473 : i32
      %add3A_475 = arith.constant 2 : i32
      %add3A_476 = arith.addi %add3A_475, %mul3A_474 : i32
      %add3A_477 = arith.constant 3 : i32
      %add3A_478 = arith.addi %add3A_476, %add3A_477 : i32
      %dma_wait3A_479 = arith.constant 3 : i32
      %dma_wait3A_480 = arith.constant 0 : i32
      %dma_wait3A_481 = arith.constant 0 : i32
      %dma_wait3A_482 = tpu.memref_slice %arg6[%dma_wait3A_479, %dma_wait3A_480, %dma_wait3A_481] : memref<4x128x128xf32, #tpu.memory_space<vmem>> -> memref<1x128x128xf32, #tpu.memory_space<vmem>>
      %dma_wait3A_483 = tpu.memref_squeeze %dma_wait3A_482 : memref<1x128x128xf32, #tpu.memory_space<vmem>> -> memref<128x128xf32, #tpu.memory_space<vmem>>
      %dma_wait3A_484 = arith.constant 0 : i32
      %dma_wait3A_485 = tpu.memref_slice %arg4[%mul3A_4, %dma_wait3A_484] : memref<102400x128xf32, #tpu.memory_space<hbm>> -> memref<128x128xf32, #tpu.memory_space<hbm>>
      %dma_wait3A_486 = arith.constant 0 : i32
      %dma_wait3A_487 = tpu.memref_slice %arg4[%mul3A_4, %dma_wait3A_486] : memref<102400x128xf32, #tpu.memory_space<hbm>> -> memref<128x128xf32, #tpu.memory_space<hbm>>
      %dma_wait3A_488 = arith.constant 0 : i32
      %dma_wait3A_489 = arith.constant 0 : i32
      %dma_wait3A_490 = tpu.memref_slice %arg6[%dma_wait3A_479, %dma_wait3A_488, %dma_wait3A_489] : memref<4x128x128xf32, #tpu.memory_space<vmem>> -> memref<1x128x128xf32, #tpu.memory_space<vmem>>
      %dma_wait3A_491 = tpu.memref_squeeze %dma_wait3A_490 : memref<1x128x128xf32, #tpu.memory_space<vmem>> -> memref<128x128xf32, #tpu.memory_space<vmem>>
      tpu.wait_dma2 semaphore(%arg14 : memref<!tpu.dma_semaphore, #tpu.memory_space<semaphore_mem>>) src(%dma_wait3A_491 : memref<128x128xf32, #tpu.memory_space<vmem>>) dst(%dma_wait3A_487 : memref<128x128xf32, #tpu.memory_space<hbm>>)
      %add3A_492 = arith.constant 2 : i32
      %add3A_493 = arith.addi %add3A_478, %add3A_492 : i32
      %dma_start3A_494 = arith.constant 3 : i32
      %dma_start3A_495 = arith.constant 0 : i32
      %dma_start3A_496 = arith.constant 0 : i32
      %dma_start3A_497 = tpu.memref_slice %arg6[%dma_start3A_494, %dma_start3A_495, %dma_start3A_496] : memref<4x128x128xf32, #tpu.memory_space<vmem>> -> memref<1x128x128xf32, #tpu.memory_space<vmem>>
      %dma_start3A_498 = tpu.memref_squeeze %dma_start3A_497 : memref<1x128x128xf32, #tpu.memory_space<vmem>> -> memref<128x128xf32, #tpu.memory_space<vmem>>
      %dma_start3A_499 = arith.constant 0 : i32
      %dma_start3A_500 = tpu.memref_slice %arg5[%add3A_493, %dma_start3A_499] : memref<25x128xi32, #tpu.memory_space<vmem>> -> memref<1x128xi32, #tpu.memory_space<vmem>>
      %dma_start3A_501 = tpu.memref_squeeze %dma_start3A_500 : memref<1x128xi32, #tpu.memory_space<vmem>> -> memref<128xi32, #tpu.memory_space<vmem>>
      %dma_start3A_502 = arith.constant 0 : i32
      %dma_start3A_503 = arith.constant 0 : i32
      %dma_start3A_504 = tpu.memref_slice %arg2[%dma_start3A_502, %dma_start3A_503] : memref<33600x128xf32, #tpu.memory_space<hbm>> -> memref<33600x128xf32, #tpu.memory_space<hbm>>
      tpu.enqueue_indirect_dma source(%dma_start3A_504 : memref<33600x128xf32, #tpu.memory_space<hbm>>) target(%dma_start3A_498 : memref<128x128xf32, #tpu.memory_space<vmem>>) offsets(%dma_start3A_501 : memref<128xi32, #tpu.memory_space<vmem>>) semaphore(%arg10 : memref<!tpu.dma_semaphore, #tpu.memory_space<semaphore_mem>>)
      %dma_wait3A_505 = arith.constant 1 : i32
      %dma_wait3A_506 = arith.constant 0 : i32
      %dma_wait3A_507 = arith.constant 0 : i32
      %dma_wait3A_508 = tpu.memref_slice %arg6[%dma_wait3A_505, %dma_wait3A_506, %dma_wait3A_507] : memref<4x128x128xf32, #tpu.memory_space<vmem>> -> memref<1x128x128xf32, #tpu.memory_space<vmem>>
      %dma_wait3A_509 = tpu.memref_squeeze %dma_wait3A_508 : memref<1x128x128xf32, #tpu.memory_space<vmem>> -> memref<128x128xf32, #tpu.memory_space<vmem>>
      %dma_wait3A_510 = arith.constant 0 : i32
      %dma_wait3A_511 = arith.constant 0 : i32
      %dma_wait3A_512 = tpu.memref_slice %arg2[%dma_wait3A_510, %dma_wait3A_511] : memref<33600x128xf32, #tpu.memory_space<hbm>> -> memref<128x128xf32, #tpu.memory_space<hbm>>
      %dma_wait3A_513 = arith.constant 0 : i32
      %dma_wait3A_514 = arith.constant 0 : i32
      %dma_wait3A_515 = tpu.memref_slice %arg6[%dma_wait3A_505, %dma_wait3A_513, %dma_wait3A_514] : memref<4x128x128xf32, #tpu.memory_space<vmem>> -> memref<1x128x128xf32, #tpu.memory_space<vmem>>
      %dma_wait3A_516 = tpu.memref_squeeze %dma_wait3A_515 : memref<1x128x128xf32, #tpu.memory_space<vmem>> -> memref<128x128xf32, #tpu.memory_space<vmem>>
      %dma_wait3A_517 = arith.constant 0 : i32
      %dma_wait3A_518 = arith.constant 0 : i32
      %dma_wait3A_519 = tpu.memref_slice %arg2[%dma_wait3A_517, %dma_wait3A_518] : memref<33600x128xf32, #tpu.memory_space<hbm>> -> memref<128x128xf32, #tpu.memory_space<hbm>>
      tpu.wait_dma2 semaphore(%arg8 : memref<!tpu.dma_semaphore, #tpu.memory_space<semaphore_mem>>) src(%dma_wait3A_519 : memref<128x128xf32, #tpu.memory_space<hbm>>) dst(%dma_wait3A_516 : memref<128x128xf32, #tpu.memory_space<vmem>>)
      %mul3A_520 = arith.constant 128 : i32
      %mul3A_521 = arith.muli %add3A_478, %mul3A_520 : i32
      %add3A_522 = arith.addi %mul3A_4, %mul3A_521 : i32
      %dma_start3A_523 = arith.constant 1 : i32
      %dma_start3A_524 = arith.constant 0 : i32
      %dma_start3A_525 = arith.constant 0 : i32
      %dma_start3A_526 = tpu.memref_slice %arg6[%dma_start3A_523, %dma_start3A_524, %dma_start3A_525] : memref<4x128x128xf32, #tpu.memory_space<vmem>> -> memref<1x128x128xf32, #tpu.memory_space<vmem>>
      %dma_start3A_527 = tpu.memref_squeeze %dma_start3A_526 : memref<1x128x128xf32, #tpu.memory_space<vmem>> -> memref<128x128xf32, #tpu.memory_space<vmem>>
      %dma_start3A_528 = arith.constant 0 : i32
      %dma_start3A_529 = tpu.memref_slice %arg4[%add3A_522, %dma_start3A_528] : memref<102400x128xf32, #tpu.memory_space<hbm>> -> memref<128x128xf32, #tpu.memory_space<hbm>>
      %dma_start3A_530 = arith.constant 0 : i32
      %dma_start3A_531 = tpu.memref_slice %arg4[%add3A_522, %dma_start3A_530] : memref<102400x128xf32, #tpu.memory_space<hbm>> -> memref<128x128xf32, #tpu.memory_space<hbm>>
      %dma_start3A_532 = arith.constant 0 : i32
      %dma_start3A_533 = arith.constant 0 : i32
      %dma_start3A_534 = tpu.memref_slice %arg6[%dma_start3A_523, %dma_start3A_532, %dma_start3A_533] : memref<4x128x128xf32, #tpu.memory_space<vmem>> -> memref<1x128x128xf32, #tpu.memory_space<vmem>>
      %dma_start3A_535 = tpu.memref_squeeze %dma_start3A_534 : memref<1x128x128xf32, #tpu.memory_space<vmem>> -> memref<128x128xf32, #tpu.memory_space<vmem>>
      tpu.enqueue_dma source(%dma_start3A_535 : memref<128x128xf32, #tpu.memory_space<vmem>>) target(%dma_start3A_531 : memref<128x128xf32, #tpu.memory_space<hbm>>) target_semaphore(%arg12 : memref<!tpu.dma_semaphore, #tpu.memory_space<semaphore_mem>>)
    }
    %scan3A_115 = arith.constant 5 : i32
    %dma_wait3A_116 = arith.constant 0 : i32
    %dma_wait3A_117 = arith.constant 0 : i32
    %dma_wait3A_118 = arith.constant 0 : i32
    %dma_wait3A_119 = tpu.memref_slice %arg6[%dma_wait3A_116, %dma_wait3A_117, %dma_wait3A_118] : memref<4x128x128xf32, #tpu.memory_space<vmem>> -> memref<1x128x128xf32, #tpu.memory_space<vmem>>
    %dma_wait3A_120 = tpu.memref_squeeze %dma_wait3A_119 : memref<1x128x128xf32, #tpu.memory_space<vmem>> -> memref<128x128xf32, #tpu.memory_space<vmem>>
    %dma_wait3A_121 = arith.constant 0 : i32
    %dma_wait3A_122 = tpu.memref_slice %arg4[%mul3A_4, %dma_wait3A_121] : memref<102400x128xf32, #tpu.memory_space<hbm>> -> memref<128x128xf32, #tpu.memory_space<hbm>>
    %dma_wait3A_123 = arith.constant 0 : i32
    %dma_wait3A_124 = tpu.memref_slice %arg4[%mul3A_4, %dma_wait3A_123] : memref<102400x128xf32, #tpu.memory_space<hbm>> -> memref<128x128xf32, #tpu.memory_space<hbm>>
    %dma_wait3A_125 = arith.constant 0 : i32
    %dma_wait3A_126 = arith.constant 0 : i32
    %dma_wait3A_127 = tpu.memref_slice %arg6[%dma_wait3A_116, %dma_wait3A_125, %dma_wait3A_126] : memref<4x128x128xf32, #tpu.memory_space<vmem>> -> memref<1x128x128xf32, #tpu.memory_space<vmem>>
    %dma_wait3A_128 = tpu.memref_squeeze %dma_wait3A_127 : memref<1x128x128xf32, #tpu.memory_space<vmem>> -> memref<128x128xf32, #tpu.memory_space<vmem>>
    tpu.wait_dma2 semaphore(%arg11 : memref<!tpu.dma_semaphore, #tpu.memory_space<semaphore_mem>>) src(%dma_wait3A_128 : memref<128x128xf32, #tpu.memory_space<vmem>>) dst(%dma_wait3A_124 : memref<128x128xf32, #tpu.memory_space<hbm>>)
    %dma_start3A_129 = arith.constant 24 : i32
    %dma_start3A_130 = arith.constant 0 : i32
    %dma_start3A_131 = arith.constant 0 : i32
    %dma_start3A_132 = arith.constant 0 : i32
    %dma_start3A_133 = tpu.memref_slice %arg6[%dma_start3A_130, %dma_start3A_131, %dma_start3A_132] : memref<4x128x128xf32, #tpu.memory_space<vmem>> -> memref<1x128x128xf32, #tpu.memory_space<vmem>>
    %dma_start3A_134 = tpu.memref_squeeze %dma_start3A_133 : memref<1x128x128xf32, #tpu.memory_space<vmem>> -> memref<128x128xf32, #tpu.memory_space<vmem>>
    %dma_start3A_135 = arith.constant 0 : i32
    %dma_start3A_136 = tpu.memref_slice %arg5[%dma_start3A_129, %dma_start3A_135] : memref<25x128xi32, #tpu.memory_space<vmem>> -> memref<1x128xi32, #tpu.memory_space<vmem>>
    %dma_start3A_137 = tpu.memref_squeeze %dma_start3A_136 : memref<1x128xi32, #tpu.memory_space<vmem>> -> memref<128xi32, #tpu.memory_space<vmem>>
    %dma_start3A_138 = arith.constant 0 : i32
    %dma_start3A_139 = arith.constant 0 : i32
    %dma_start3A_140 = tpu.memref_slice %arg2[%dma_start3A_138, %dma_start3A_139] : memref<33600x128xf32, #tpu.memory_space<hbm>> -> memref<33600x128xf32, #tpu.memory_space<hbm>>
    tpu.enqueue_indirect_dma source(%dma_start3A_140 : memref<33600x128xf32, #tpu.memory_space<hbm>>) target(%dma_start3A_134 : memref<128x128xf32, #tpu.memory_space<vmem>>) offsets(%dma_start3A_137 : memref<128xi32, #tpu.memory_space<vmem>>) semaphore(%arg7 : memref<!tpu.dma_semaphore, #tpu.memory_space<semaphore_mem>>)
    %dma_wait3A_141 = arith.constant 2 : i32
    %dma_wait3A_142 = arith.constant 0 : i32
    %dma_wait3A_143 = arith.constant 0 : i32
    %dma_wait3A_144 = tpu.memref_slice %arg6[%dma_wait3A_141, %dma_wait3A_142, %dma_wait3A_143] : memref<4x128x128xf32, #tpu.memory_space<vmem>> -> memref<1x128x128xf32, #tpu.memory_space<vmem>>
    %dma_wait3A_145 = tpu.memref_squeeze %dma_wait3A_144 : memref<1x128x128xf32, #tpu.memory_space<vmem>> -> memref<128x128xf32, #tpu.memory_space<vmem>>
    %dma_wait3A_146 = arith.constant 0 : i32
    %dma_wait3A_147 = arith.constant 0 : i32
    %dma_wait3A_148 = tpu.memref_slice %arg2[%dma_wait3A_146, %dma_wait3A_147] : memref<33600x128xf32, #tpu.memory_space<hbm>> -> memref<128x128xf32, #tpu.memory_space<hbm>>
    %dma_wait3A_149 = arith.constant 0 : i32
    %dma_wait3A_150 = arith.constant 0 : i32
    %dma_wait3A_151 = tpu.memref_slice %arg6[%dma_wait3A_141, %dma_wait3A_149, %dma_wait3A_150] : memref<4x128x128xf32, #tpu.memory_space<vmem>> -> memref<1x128x128xf32, #tpu.memory_space<vmem>>
    %dma_wait3A_152 = tpu.memref_squeeze %dma_wait3A_151 : memref<1x128x128xf32, #tpu.memory_space<vmem>> -> memref<128x128xf32, #tpu.memory_space<vmem>>
    %dma_wait3A_153 = arith.constant 0 : i32
    %dma_wait3A_154 = arith.constant 0 : i32
    %dma_wait3A_155 = tpu.memref_slice %arg2[%dma_wait3A_153, %dma_wait3A_154] : memref<33600x128xf32, #tpu.memory_space<hbm>> -> memref<128x128xf32, #tpu.memory_space<hbm>>
    tpu.wait_dma2 semaphore(%arg9 : memref<!tpu.dma_semaphore, #tpu.memory_space<semaphore_mem>>) src(%dma_wait3A_155 : memref<128x128xf32, #tpu.memory_space<hbm>>) dst(%dma_wait3A_152 : memref<128x128xf32, #tpu.memory_space<vmem>>)
    %add3A_156 = arith.constant 2816 : i32
    %add3A_157 = arith.addi %mul3A_4, %add3A_156 : i32
    %dma_start3A_158 = arith.constant 2 : i32
    %dma_start3A_159 = arith.constant 0 : i32
    %dma_start3A_160 = arith.constant 0 : i32
    %dma_start3A_161 = tpu.memref_slice %arg6[%dma_start3A_158, %dma_start3A_159, %dma_start3A_160] : memref<4x128x128xf32, #tpu.memory_space<vmem>> -> memref<1x128x128xf32, #tpu.memory_space<vmem>>
    %dma_start3A_162 = tpu.memref_squeeze %dma_start3A_161 : memref<1x128x128xf32, #tpu.memory_space<vmem>> -> memref<128x128xf32, #tpu.memory_space<vmem>>
    %dma_start3A_163 = arith.constant 0 : i32
    %dma_start3A_164 = tpu.memref_slice %arg4[%add3A_157, %dma_start3A_163] : memref<102400x128xf32, #tpu.memory_space<hbm>> -> memref<128x128xf32, #tpu.memory_space<hbm>>
    %dma_start3A_165 = arith.constant 0 : i32
    %dma_start3A_166 = tpu.memref_slice %arg4[%add3A_157, %dma_start3A_165] : memref<102400x128xf32, #tpu.memory_space<hbm>> -> memref<128x128xf32, #tpu.memory_space<hbm>>
    %dma_start3A_167 = arith.constant 0 : i32
    %dma_start3A_168 = arith.constant 0 : i32
    %dma_start3A_169 = tpu.memref_slice %arg6[%dma_start3A_158, %dma_start3A_167, %dma_start3A_168] : memref<4x128x128xf32, #tpu.memory_space<vmem>> -> memref<1x128x128xf32, #tpu.memory_space<vmem>>
    %dma_start3A_170 = tpu.memref_squeeze %dma_start3A_169 : memref<1x128x128xf32, #tpu.memory_space<vmem>> -> memref<128x128xf32, #tpu.memory_space<vmem>>
    tpu.enqueue_dma source(%dma_start3A_170 : memref<128x128xf32, #tpu.memory_space<vmem>>) target(%dma_start3A_166 : memref<128x128xf32, #tpu.memory_space<hbm>>) target_semaphore(%arg13 : memref<!tpu.dma_semaphore, #tpu.memory_space<semaphore_mem>>)
    %dma_wait3A_171 = arith.constant 3 : i32
    %dma_wait3A_172 = arith.constant 0 : i32
    %dma_wait3A_173 = arith.constant 0 : i32
    %dma_wait3A_174 = tpu.memref_slice %arg6[%dma_wait3A_171, %dma_wait3A_172, %dma_wait3A_173] : memref<4x128x128xf32, #tpu.memory_space<vmem>> -> memref<1x128x128xf32, #tpu.memory_space<vmem>>
    %dma_wait3A_175 = tpu.memref_squeeze %dma_wait3A_174 : memref<1x128x128xf32, #tpu.memory_space<vmem>> -> memref<128x128xf32, #tpu.memory_space<vmem>>
    %dma_wait3A_176 = arith.constant 0 : i32
    %dma_wait3A_177 = arith.constant 0 : i32
    %dma_wait3A_178 = tpu.memref_slice %arg2[%dma_wait3A_176, %dma_wait3A_177] : memref<33600x128xf32, #tpu.memory_space<hbm>> -> memref<128x128xf32, #tpu.memory_space<hbm>>
    %dma_wait3A_179 = arith.constant 0 : i32
    %dma_wait3A_180 = arith.constant 0 : i32
    %dma_wait3A_181 = tpu.memref_slice %arg6[%dma_wait3A_171, %dma_wait3A_179, %dma_wait3A_180] : memref<4x128x128xf32, #tpu.memory_space<vmem>> -> memref<1x128x128xf32, #tpu.memory_space<vmem>>
    %dma_wait3A_182 = tpu.memref_squeeze %dma_wait3A_181 : memref<1x128x128xf32, #tpu.memory_space<vmem>> -> memref<128x128xf32, #tpu.memory_space<vmem>>
    %dma_wait3A_183 = arith.constant 0 : i32
    %dma_wait3A_184 = arith.constant 0 : i32
    %dma_wait3A_185 = tpu.memref_slice %arg2[%dma_wait3A_183, %dma_wait3A_184] : memref<33600x128xf32, #tpu.memory_space<hbm>> -> memref<128x128xf32, #tpu.memory_space<hbm>>
    tpu.wait_dma2 semaphore(%arg10 : memref<!tpu.dma_semaphore, #tpu.memory_space<semaphore_mem>>) src(%dma_wait3A_185 : memref<128x128xf32, #tpu.memory_space<hbm>>) dst(%dma_wait3A_182 : memref<128x128xf32, #tpu.memory_space<vmem>>)
    %add3A_186 = arith.constant 2944 : i32
    %add3A_187 = arith.addi %mul3A_4, %add3A_186 : i32
    %dma_start3A_188 = arith.constant 3 : i32
    %dma_start3A_189 = arith.constant 0 : i32
    %dma_start3A_190 = arith.constant 0 : i32
    %dma_start3A_191 = tpu.memref_slice %arg6[%dma_start3A_188, %dma_start3A_189, %dma_start3A_190] : memref<4x128x128xf32, #tpu.memory_space<vmem>> -> memref<1x128x128xf32, #tpu.memory_space<vmem>>
    %dma_start3A_192 = tpu.memref_squeeze %dma_start3A_191 : memref<1x128x128xf32, #tpu.memory_space<vmem>> -> memref<128x128xf32, #tpu.memory_space<vmem>>
    %dma_start3A_193 = arith.constant 0 : i32
    %dma_start3A_194 = tpu.memref_slice %arg4[%add3A_187, %dma_start3A_193] : memref<102400x128xf32, #tpu.memory_space<hbm>> -> memref<128x128xf32, #tpu.memory_space<hbm>>
    %dma_start3A_195 = arith.constant 0 : i32
    %dma_start3A_196 = tpu.memref_slice %arg4[%add3A_187, %dma_start3A_195] : memref<102400x128xf32, #tpu.memory_space<hbm>> -> memref<128x128xf32, #tpu.memory_space<hbm>>
    %dma_start3A_197 = arith.constant 0 : i32
    %dma_start3A_198 = arith.constant 0 : i32
    %dma_start3A_199 = tpu.memref_slice %arg6[%dma_start3A_188, %dma_start3A_197, %dma_start3A_198] : memref<4x128x128xf32, #tpu.memory_space<vmem>> -> memref<1x128x128xf32, #tpu.memory_space<vmem>>
    %dma_start3A_200 = tpu.memref_squeeze %dma_start3A_199 : memref<1x128x128xf32, #tpu.memory_space<vmem>> -> memref<128x128xf32, #tpu.memory_space<vmem>>
    tpu.enqueue_dma source(%dma_start3A_200 : memref<128x128xf32, #tpu.memory_space<vmem>>) target(%dma_start3A_196 : memref<128x128xf32, #tpu.memory_space<hbm>>) target_semaphore(%arg14 : memref<!tpu.dma_semaphore, #tpu.memory_space<semaphore_mem>>)
    %dma_wait3A_201 = arith.constant 0 : i32
    %dma_wait3A_202 = arith.constant 0 : i32
    %dma_wait3A_203 = arith.constant 0 : i32
    %dma_wait3A_204 = tpu.memref_slice %arg6[%dma_wait3A_201, %dma_wait3A_202, %dma_wait3A_203] : memref<4x128x128xf32, #tpu.memory_space<vmem>> -> memref<1x128x128xf32, #tpu.memory_space<vmem>>
    %dma_wait3A_205 = tpu.memref_squeeze %dma_wait3A_204 : memref<1x128x128xf32, #tpu.memory_space<vmem>> -> memref<128x128xf32, #tpu.memory_space<vmem>>
    %dma_wait3A_206 = arith.constant 0 : i32
    %dma_wait3A_207 = arith.constant 0 : i32
    %dma_wait3A_208 = tpu.memref_slice %arg2[%dma_wait3A_206, %dma_wait3A_207] : memref<33600x128xf32, #tpu.memory_space<hbm>> -> memref<128x128xf32, #tpu.memory_space<hbm>>
    %dma_wait3A_209 = arith.constant 0 : i32
    %dma_wait3A_210 = arith.constant 0 : i32
    %dma_wait3A_211 = tpu.memref_slice %arg6[%dma_wait3A_201, %dma_wait3A_209, %dma_wait3A_210] : memref<4x128x128xf32, #tpu.memory_space<vmem>> -> memref<1x128x128xf32, #tpu.memory_space<vmem>>
    %dma_wait3A_212 = tpu.memref_squeeze %dma_wait3A_211 : memref<1x128x128xf32, #tpu.memory_space<vmem>> -> memref<128x128xf32, #tpu.memory_space<vmem>>
    %dma_wait3A_213 = arith.constant 0 : i32
    %dma_wait3A_214 = arith.constant 0 : i32
    %dma_wait3A_215 = tpu.memref_slice %arg2[%dma_wait3A_213, %dma_wait3A_214] : memref<33600x128xf32, #tpu.memory_space<hbm>> -> memref<128x128xf32, #tpu.memory_space<hbm>>
    tpu.wait_dma2 semaphore(%arg7 : memref<!tpu.dma_semaphore, #tpu.memory_space<semaphore_mem>>) src(%dma_wait3A_215 : memref<128x128xf32, #tpu.memory_space<hbm>>) dst(%dma_wait3A_212 : memref<128x128xf32, #tpu.memory_space<vmem>>)
    %add3A_216 = arith.constant 3072 : i32
    %add3A_217 = arith.addi %mul3A_4, %add3A_216 : i32
    %dma_start3A_218 = arith.constant 0 : i32
    %dma_start3A_219 = arith.constant 0 : i32
    %dma_start3A_220 = arith.constant 0 : i32
    %dma_start3A_221 = tpu.memref_slice %arg6[%dma_start3A_218, %dma_start3A_219, %dma_start3A_220] : memref<4x128x128xf32, #tpu.memory_space<vmem>> -> memref<1x128x128xf32, #tpu.memory_space<vmem>>
    %dma_start3A_222 = tpu.memref_squeeze %dma_start3A_221 : memref<1x128x128xf32, #tpu.memory_space<vmem>> -> memref<128x128xf32, #tpu.memory_space<vmem>>
    %dma_start3A_223 = arith.constant 0 : i32
    %dma_start3A_224 = tpu.memref_slice %arg4[%add3A_217, %dma_start3A_223] : memref<102400x128xf32, #tpu.memory_space<hbm>> -> memref<128x128xf32, #tpu.memory_space<hbm>>
    %dma_start3A_225 = arith.constant 0 : i32
    %dma_start3A_226 = tpu.memref_slice %arg4[%add3A_217, %dma_start3A_225] : memref<102400x128xf32, #tpu.memory_space<hbm>> -> memref<128x128xf32, #tpu.memory_space<hbm>>
    %dma_start3A_227 = arith.constant 0 : i32
    %dma_start3A_228 = arith.constant 0 : i32
    %dma_start3A_229 = tpu.memref_slice %arg6[%dma_start3A_218, %dma_start3A_227, %dma_start3A_228] : memref<4x128x128xf32, #tpu.memory_space<vmem>> -> memref<1x128x128xf32, #tpu.memory_space<vmem>>
    %dma_start3A_230 = tpu.memref_squeeze %dma_start3A_229 : memref<1x128x128xf32, #tpu.memory_space<vmem>> -> memref<128x128xf32, #tpu.memory_space<vmem>>
    tpu.enqueue_dma source(%dma_start3A_230 : memref<128x128xf32, #tpu.memory_space<vmem>>) target(%dma_start3A_226 : memref<128x128xf32, #tpu.memory_space<hbm>>) target_semaphore(%arg11 : memref<!tpu.dma_semaphore, #tpu.memory_space<semaphore_mem>>)
    %dma_wait3A_231 = arith.constant 0 : i32
    %dma_wait3A_232 = arith.constant 0 : i32
    %dma_wait3A_233 = arith.constant 0 : i32
    %dma_wait3A_234 = tpu.memref_slice %arg6[%dma_wait3A_231, %dma_wait3A_232, %dma_wait3A_233] : memref<4x128x128xf32, #tpu.memory_space<vmem>> -> memref<1x128x128xf32, #tpu.memory_space<vmem>>
    %dma_wait3A_235 = tpu.memref_squeeze %dma_wait3A_234 : memref<1x128x128xf32, #tpu.memory_space<vmem>> -> memref<128x128xf32, #tpu.memory_space<vmem>>
    %dma_wait3A_236 = arith.constant 0 : i32
    %dma_wait3A_237 = tpu.memref_slice %arg4[%mul3A_4, %dma_wait3A_236] : memref<102400x128xf32, #tpu.memory_space<hbm>> -> memref<128x128xf32, #tpu.memory_space<hbm>>
    %dma_wait3A_238 = arith.constant 0 : i32
    %dma_wait3A_239 = tpu.memref_slice %arg4[%mul3A_4, %dma_wait3A_238] : memref<102400x128xf32, #tpu.memory_space<hbm>> -> memref<128x128xf32, #tpu.memory_space<hbm>>
    %dma_wait3A_240 = arith.constant 0 : i32
    %dma_wait3A_241 = arith.constant 0 : i32
    %dma_wait3A_242 = tpu.memref_slice %arg6[%dma_wait3A_231, %dma_wait3A_240, %dma_wait3A_241] : memref<4x128x128xf32, #tpu.memory_space<vmem>> -> memref<1x128x128xf32, #tpu.memory_space<vmem>>
    %dma_wait3A_243 = tpu.memref_squeeze %dma_wait3A_242 : memref<1x128x128xf32, #tpu.memory_space<vmem>> -> memref<128x128xf32, #tpu.memory_space<vmem>>
    tpu.wait_dma2 semaphore(%arg11 : memref<!tpu.dma_semaphore, #tpu.memory_space<semaphore_mem>>) src(%dma_wait3A_243 : memref<128x128xf32, #tpu.memory_space<vmem>>) dst(%dma_wait3A_239 : memref<128x128xf32, #tpu.memory_space<hbm>>)
    %dma_wait3A_244 = arith.constant 1 : i32
    %dma_wait3A_245 = arith.constant 0 : i32
    %dma_wait3A_246 = arith.constant 0 : i32
    %dma_wait3A_247 = tpu.memref_slice %arg6[%dma_wait3A_244, %dma_wait3A_245, %dma_wait3A_246] : memref<4x128x128xf32, #tpu.memory_space<vmem>> -> memref<1x128x128xf32, #tpu.memory_space<vmem>>
    %dma_wait3A_248 = tpu.memref_squeeze %dma_wait3A_247 : memref<1x128x128xf32, #tpu.memory_space<vmem>> -> memref<128x128xf32, #tpu.memory_space<vmem>>
    %dma_wait3A_249 = arith.constant 0 : i32
    %dma_wait3A_250 = tpu.memref_slice %arg4[%mul3A_4, %dma_wait3A_249] : memref<102400x128xf32, #tpu.memory_space<hbm>> -> memref<128x128xf32, #tpu.memory_space<hbm>>
    %dma_wait3A_251 = arith.constant 0 : i32
    %dma_wait3A_252 = tpu.memref_slice %arg4[%mul3A_4, %dma_wait3A_251] : memref<102400x128xf32, #tpu.memory_space<hbm>> -> memref<128x128xf32, #tpu.memory_space<hbm>>
    %dma_wait3A_253 = arith.constant 0 : i32
    %dma_wait3A_254 = arith.constant 0 : i32
    %dma_wait3A_255 = tpu.memref_slice %arg6[%dma_wait3A_244, %dma_wait3A_253, %dma_wait3A_254] : memref<4x128x128xf32, #tpu.memory_space<vmem>> -> memref<1x128x128xf32, #tpu.memory_space<vmem>>
    %dma_wait3A_256 = tpu.memref_squeeze %dma_wait3A_255 : memref<1x128x128xf32, #tpu.memory_space<vmem>> -> memref<128x128xf32, #tpu.memory_space<vmem>>
    tpu.wait_dma2 semaphore(%arg12 : memref<!tpu.dma_semaphore, #tpu.memory_space<semaphore_mem>>) src(%dma_wait3A_256 : memref<128x128xf32, #tpu.memory_space<vmem>>) dst(%dma_wait3A_252 : memref<128x128xf32, #tpu.memory_space<hbm>>)
    %dma_wait3A_257 = arith.constant 2 : i32
    %dma_wait3A_258 = arith.constant 0 : i32
    %dma_wait3A_259 = arith.constant 0 : i32
    %dma_wait3A_260 = tpu.memref_slice %arg6[%dma_wait3A_257, %dma_wait3A_258, %dma_wait3A_259] : memref<4x128x128xf32, #tpu.memory_space<vmem>> -> memref<1x128x128xf32, #tpu.memory_space<vmem>>
    %dma_wait3A_261 = tpu.memref_squeeze %dma_wait3A_260 : memref<1x128x128xf32, #tpu.memory_space<vmem>> -> memref<128x128xf32, #tpu.memory_space<vmem>>
    %dma_wait3A_262 = arith.constant 0 : i32
    %dma_wait3A_263 = tpu.memref_slice %arg4[%mul3A_4, %dma_wait3A_262] : memref<102400x128xf32, #tpu.memory_space<hbm>> -> memref<128x128xf32, #tpu.memory_space<hbm>>
    %dma_wait3A_264 = arith.constant 0 : i32
    %dma_wait3A_265 = tpu.memref_slice %arg4[%mul3A_4, %dma_wait3A_264] : memref<102400x128xf32, #tpu.memory_space<hbm>> -> memref<128x128xf32, #tpu.memory_space<hbm>>
    %dma_wait3A_266 = arith.constant 0 : i32
    %dma_wait3A_267 = arith.constant 0 : i32
    %dma_wait3A_268 = tpu.memref_slice %arg6[%dma_wait3A_257, %dma_wait3A_266, %dma_wait3A_267] : memref<4x128x128xf32, #tpu.memory_space<vmem>> -> memref<1x128x128xf32, #tpu.memory_space<vmem>>
    %dma_wait3A_269 = tpu.memref_squeeze %dma_wait3A_268 : memref<1x128x128xf32, #tpu.memory_space<vmem>> -> memref<128x128xf32, #tpu.memory_space<vmem>>
    tpu.wait_dma2 semaphore(%arg13 : memref<!tpu.dma_semaphore, #tpu.memory_space<semaphore_mem>>) src(%dma_wait3A_269 : memref<128x128xf32, #tpu.memory_space<vmem>>) dst(%dma_wait3A_265 : memref<128x128xf32, #tpu.memory_space<hbm>>)
    %dma_wait3A_270 = arith.constant 3 : i32
    %dma_wait3A_271 = arith.constant 0 : i32
    %dma_wait3A_272 = arith.constant 0 : i32
    %dma_wait3A_273 = tpu.memref_slice %arg6[%dma_wait3A_270, %dma_wait3A_271, %dma_wait3A_272] : memref<4x128x128xf32, #tpu.memory_space<vmem>> -> memref<1x128x128xf32, #tpu.memory_space<vmem>>
    %dma_wait3A_274 = tpu.memref_squeeze %dma_wait3A_273 : memref<1x128x128xf32, #tpu.memory_space<vmem>> -> memref<128x128xf32, #tpu.memory_space<vmem>>
    %dma_wait3A_275 = arith.constant 0 : i32
    %dma_wait3A_276 = tpu.memref_slice %arg4[%mul3A_4, %dma_wait3A_275] : memref<102400x128xf32, #tpu.memory_space<hbm>> -> memref<128x128xf32, #tpu.memory_space<hbm>>
    %dma_wait3A_277 = arith.constant 0 : i32
    %dma_wait3A_278 = tpu.memref_slice %arg4[%mul3A_4, %dma_wait3A_277] : memref<102400x128xf32, #tpu.memory_space<hbm>> -> memref<128x128xf32, #tpu.memory_space<hbm>>
    %dma_wait3A_279 = arith.constant 0 : i32
    %dma_wait3A_280 = arith.constant 0 : i32
    %dma_wait3A_281 = tpu.memref_slice %arg6[%dma_wait3A_270, %dma_wait3A_279, %dma_wait3A_280] : memref<4x128x128xf32, #tpu.memory_space<vmem>> -> memref<1x128x128xf32, #tpu.memory_space<vmem>>
    %dma_wait3A_282 = tpu.memref_squeeze %dma_wait3A_281 : memref<1x128x128xf32, #tpu.memory_space<vmem>> -> memref<128x128xf32, #tpu.memory_space<vmem>>
    tpu.wait_dma2 semaphore(%arg14 : memref<!tpu.dma_semaphore, #tpu.memory_space<semaphore_mem>>) src(%dma_wait3A_282 : memref<128x128xf32, #tpu.memory_space<vmem>>) dst(%dma_wait3A_278 : memref<128x128xf32, #tpu.memory_space<hbm>>)
    return
  }
}

module attributes {stable_mosaic.version = 14 : i64} {
  func.func @_idx_body(%arg0: i32, %arg1: memref<400x128xi32, #tpu.memory_space<vmem>>, %arg2: memref<400x128xi32, #tpu.memory_space<vmem>>, %arg3: memref<400x128xi32, #tpu.memory_space<vmem>>, %arg4: memref<400x128xi32, #tpu.memory_space<vmem>>) attributes {dimension_semantics = [#tpu.dimension_semantics<arbitrary>], iteration_bounds = array<i64: 2>, scalar_prefetch = 0 : i64, scratch_operands = 0 : i64, tpu.core_type = #tpu.core_type<tc>, window_params = [{transform_indices = @transform_0, window_bounds = array<i64: 400, 128>}, {transform_indices = @transform_1, window_bounds = array<i64: 400, 128>}, {transform_indices = @transform_2, window_bounds = array<i64: 400, 128>}, {transform_indices = @transform_3, window_bounds = array<i64: 400, 128>}]} {
    %get3A = arith.constant 0 : index
    %get3A_0 = arith.constant 0 : index
    %get3A_1 = vector.load %arg1[%get3A, %get3A_0] : memref<400x128xi32, #tpu.memory_space<vmem>>, vector<400x128xi32>
    %sub3A = arith.constant 1 : i32
    %sub3A_2 = vector.broadcast %sub3A : i32 to vector<400x128xi32>
    %sub3A_3 = arith.subi %get3A_1, %sub3A_2 : vector<400x128xi32>
    %mul3A = arith.constant 14 : i32
    %mul3A_4 = vector.broadcast %mul3A : i32 to vector<400x128xi32>
    %mul3A_5 = arith.muli %sub3A_3, %mul3A_4 : vector<400x128xi32>
    %get3A_6 = arith.constant 0 : index
    %get3A_7 = arith.constant 0 : index
    %get3A_8 = vector.load %arg2[%get3A_6, %get3A_7] : memref<400x128xi32, #tpu.memory_space<vmem>>, vector<400x128xi32>
    %mul3A_9 = arith.constant 2 : i32
    %mul3A_10 = vector.broadcast %mul3A_9 : i32 to vector<400x128xi32>
    %mul3A_11 = arith.muli %get3A_8, %mul3A_10 : vector<400x128xi32>
    %add3A = arith.addi %mul3A_5, %mul3A_11 : vector<400x128xi32>
    %get3A_12 = arith.constant 0 : index
    %get3A_13 = arith.constant 0 : index
    %get3A_14 = vector.load %arg3[%get3A_12, %get3A_13] : memref<400x128xi32, #tpu.memory_space<vmem>>, vector<400x128xi32>
    %add3A_15 = arith.addi %add3A, %get3A_14 : vector<400x128xi32>
    %iota3A = tpu.iota {dimensions = array<i32: 0>} : vector<400x128xi32>
    %iota3A_16 = tpu.iota {dimensions = array<i32: 1>} : vector<400x128xi32>
    %mul3A_17 = arith.constant 400 : i32
    %mul3A_18 = arith.muli %arg0, %mul3A_17 : i32
    %add3A_19 = vector.broadcast %mul3A_18 : i32 to vector<400x128xi32>
    %add3A_20 = arith.addi %add3A_19, %iota3A : vector<400x128xi32>
    %mul3A_21 = arith.constant 128 : i32
    %mul3A_22 = vector.broadcast %mul3A_21 : i32 to vector<400x128xi32>
    %mul3A_23 = arith.muli %add3A_20, %mul3A_22 : vector<400x128xi32>
    %add3A_24 = arith.addi %mul3A_23, %iota3A_16 : vector<400x128xi32>
    %jit3A = arith.constant 200 : i32
    %eq3A = arith.constant 0 : i32
    %eq3A_25 = arith.cmpi eq, %jit3A, %eq3A : i32
    %jit3A_26 = arith.constant 1 : i32
    %select_n3A = arith.select %eq3A_25, %jit3A_26, %jit3A : i32
    %rem3A = vector.broadcast %select_n3A : i32 to vector<400x128xi32>
    %rem3A_27 = arith.remsi %add3A_24, %rem3A : vector<400x128xi32>
    %ne3A = arith.constant 0 : i32
    %ne3A_28 = vector.broadcast %ne3A : i32 to vector<400x128xi32>
    %ne3A_29 = arith.cmpi ne, %rem3A_27, %ne3A_28 : vector<400x128xi32>
    %lt3A = arith.constant 0 : i32
    %lt3A_30 = vector.broadcast %lt3A : i32 to vector<400x128xi32>
    %lt3A_31 = arith.cmpi slt, %rem3A_27, %lt3A_30 : vector<400x128xi32>
    %lt3A_32 = arith.constant 0 : i32
    %lt3A_33 = arith.cmpi slt, %select_n3A, %lt3A_32 : i32
    %ne3A_34 = vector.broadcast %lt3A_33 : i1 to vector<400x128xi1>
    %ne3A_35 = vector.broadcast %ne3A_34 : vector<400x128xi1> to vector<400x128xi1>
    %ne3A_36 = arith.xori %lt3A_31, %ne3A_35 : vector<400x128xi1>
    %and3A = arith.andi %ne3A_36, %ne3A_29 : vector<400x128xi1>
    %add3A_37 = vector.broadcast %select_n3A : i32 to vector<400x128xi32>
    %add3A_38 = arith.addi %rem3A_27, %add3A_37 : vector<400x128xi32>
    %select_n3A_39 = arith.select %and3A, %add3A_38, %rem3A_27 : vector<400x128xi1>, vector<400x128xi32>
    %mul3A_40 = arith.constant 168 : i32
    %mul3A_41 = vector.broadcast %mul3A_40 : i32 to vector<400x128xi32>
    %mul3A_42 = arith.muli %select_n3A_39, %mul3A_41 : vector<400x128xi32>
    %add3A_43 = arith.addi %mul3A_42, %add3A_15 : vector<400x128xi32>
    %swap3A = arith.constant 0 : index
    %swap3A_44 = arith.constant 0 : index
    %swap3A_45 = vector.load %arg4[%swap3A, %swap3A_44] : memref<400x128xi32, #tpu.memory_space<vmem>>, vector<400x128xi32>
    tpu.vector_store %arg4[%swap3A, %swap3A_44], %add3A_43 {strides = array<i32>} : memref<400x128xi32, #tpu.memory_space<vmem>>, vector<400x128xi32>,
    return
  }
  func.func @transform_0(%arg0: i32) -> (i32, i32) {
    %c0_i32 = arith.constant 0 : i32
    %c0_i32_0 = arith.constant 0 : i32
    return %arg0, %c0_i32 : i32, i32
  }
  func.func @transform_1(%arg0: i32) -> (i32, i32) {
    %c0_i32 = arith.constant 0 : i32
    %c0_i32_0 = arith.constant 0 : i32
    return %arg0, %c0_i32 : i32, i32
  }
  func.func @transform_2(%arg0: i32) -> (i32, i32) {
    %c0_i32 = arith.constant 0 : i32
    %c0_i32_0 = arith.constant 0 : i32
    return %arg0, %c0_i32 : i32, i32
  }
  func.func @transform_3(%arg0: i32) -> (i32, i32) {
    %c0_i32 = arith.constant 0 : i32
    %c0_i32_0 = arith.constant 0 : i32
    return %arg0, %c0_i32 : i32, i32
  }
}

module attributes {stable_mosaic.version = 14 : i64} {
  func.func @_table_body(%arg0: i32, %arg1: memref<12x128xf32, #tpu.memory_space<vmem>>, %arg2: memref<7x64xf32, #tpu.memory_space<vmem>>, %arg3: memref<2x32xf32, #tpu.memory_space<vmem>>, %arg4: memref<64x128xf32, #tpu.memory_space<vmem>>, %arg5: memref<1x128xf32, #tpu.memory_space<vmem>>, %arg6: memref<32x128xf32, #tpu.memory_space<vmem>>, %arg7: memref<1x128xf32, #tpu.memory_space<vmem>>, %arg8: memref<8x128xf32, #tpu.memory_space<vmem>>, %arg9: memref<8x168x128xf32, #tpu.memory_space<vmem>>, %arg10: memref<168x128xf32, #tpu.memory_space<vmem>>) attributes {dimension_semantics = [#tpu.dimension_semantics<arbitrary>], iteration_bounds = array<i64: 25>, scalar_prefetch = 0 : i64, scratch_operands = 1 : i64, tpu.core_type = #tpu.core_type<tc>, window_params = [{pipeline_mode = #tpu.pipeline_mode<synchronous>, transform_indices = @transform_0, window_bounds = array<i64: 12, 128>}, {pipeline_mode = #tpu.pipeline_mode<synchronous>, transform_indices = @transform_1, window_bounds = array<i64: 7, 64>}, {pipeline_mode = #tpu.pipeline_mode<synchronous>, transform_indices = @transform_2, window_bounds = array<i64: 2, 32>}, {pipeline_mode = #tpu.pipeline_mode<synchronous>, transform_indices = @transform_3, window_bounds = array<i64: 64, 128>}, {pipeline_mode = #tpu.pipeline_mode<synchronous>, transform_indices = @transform_4, window_bounds = array<i64: 1, 128>}, {pipeline_mode = #tpu.pipeline_mode<synchronous>, transform_indices = @transform_5, window_bounds = array<i64: 32, 128>}, {pipeline_mode = #tpu.pipeline_mode<synchronous>, transform_indices = @transform_6, window_bounds = array<i64: 1, 128>}, {transform_indices = @transform_7, window_bounds = array<i64: 8, 128>}, {transform_indices = @transform_8, window_bounds = array<i64: 8, 168, 128>}]} {
    %eq3A = arith.constant 0 : i32
    %eq3A_0 = arith.cmpi eq, %arg0, %eq3A : i32
    %convert_element_type3A = arith.extui %eq3A_0 : i1 to i32
    %cond3A = arith.constant 0 : i32
    %cond3A_1 = arith.cmpi ne, %convert_element_type3A, %cond3A : i32
    scf.if %cond3A_1 {
      %get3A_13 = arith.constant 0 : index
      %get3A_14 = arith.constant 0 : index
      %get3A_15 = vector.load %arg2[%get3A_13, %get3A_14] : memref<7x64xf32, #tpu.memory_space<vmem>>, vector<7x64xf32>
      %get3A_16 = arith.constant 0 : index
      %get3A_17 = arith.constant 0 : index
      %get3A_18 = vector.load %arg4[%get3A_16, %get3A_17] : memref<64x128xf32, #tpu.memory_space<vmem>>, vector<64x128xf32>
      %dot_general3A = arith.constant dense<0.000000e+00> : vector<7x128xf32>
      %dot_general3A_19 = tpu.matmul %get3A_15, %get3A_18, %dot_general3A {dimension_numbers = #tpu.dot_dimension_numbers<[1], [0], [0], [1], [0, 0, 1, 1], [], []>, transpose_lhs_hint = false} : vector<7x64xf32>, vector<64x128xf32>, vector<7x128xf32> -> vector<7x128xf32>
      %get3A_20 = arith.constant 0 : index
      %get3A_21 = arith.constant 0 : index
      %get3A_22 = vector.load %arg5[%get3A_20, %get3A_21] : memref<1x128xf32, #tpu.memory_space<vmem>>, vector<1x128xf32>
      %add3A_23 = vector.broadcast %get3A_22 : vector<1x128xf32> to vector<7x128xf32>
      %add3A_24 = arith.addf %dot_general3A_19, %add3A_23 : vector<7x128xf32>
      %get3A_25 = arith.constant 0 : index
      %get3A_26 = arith.constant 0 : index
      %get3A_27 = vector.load %arg3[%get3A_25, %get3A_26] : memref<2x32xf32, #tpu.memory_space<vmem>>, vector<2x32xf32>
      %get3A_28 = arith.constant 0 : index
      %get3A_29 = arith.constant 0 : index
      %get3A_30 = vector.load %arg6[%get3A_28, %get3A_29] : memref<32x128xf32, #tpu.memory_space<vmem>>, vector<32x128xf32>
      %dot_general3A_31 = arith.constant dense<0.000000e+00> : vector<2x128xf32>
      %dot_general3A_32 = tpu.matmul %get3A_27, %get3A_30, %dot_general3A_31 {dimension_numbers = #tpu.dot_dimension_numbers<[1], [0], [0], [1], [0, 0, 1, 1], [], []>, transpose_lhs_hint = false} : vector<2x32xf32>, vector<32x128xf32>, vector<2x128xf32> -> vector<2x128xf32>
      %get3A_33 = arith.constant 0 : index
      %get3A_34 = arith.constant 0 : index
      %get3A_35 = vector.load %arg7[%get3A_33, %get3A_34] : memref<1x128xf32, #tpu.memory_space<vmem>>, vector<1x128xf32>
      %add3A_36 = vector.broadcast %get3A_35 : vector<1x128xf32> to vector<2x128xf32>
      %add3A_37 = arith.addf %dot_general3A_32, %add3A_36 : vector<2x128xf32>
      %iota3A = tpu.iota {dimensions = array<i32: 0>} : vector<168x12xi32>
      %jit3A = arith.constant 14 : i32
      %div3A = vector.broadcast %jit3A : i32 to vector<168x12xi32>
      %div3A_38 = arith.divsi %iota3A, %div3A : vector<168x12xi32>
      %sign3A = arith.constant 0 : i32
      %sign3A_39 = vector.broadcast %sign3A : i32 to vector<168x12xi32>
      %sign3A_40 = arith.cmpi sgt, %iota3A, %sign3A_39 : vector<168x12xi32>
      %sign3A_41 = arith.extui %sign3A_40 : vector<168x12xi1> to vector<168x12xi32>
      %sign3A_42 = arith.constant 0 : i32
      %sign3A_43 = vector.broadcast %sign3A_42 : i32 to vector<168x12xi32>
      %sign3A_44 = arith.cmpi slt, %iota3A, %sign3A_43 : vector<168x12xi32>
      %sign3A_45 = arith.extui %sign3A_44 : vector<168x12xi1> to vector<168x12xi32>
      %sign3A_46 = arith.subi %sign3A_41, %sign3A_45 : vector<168x12xi32>
      %sign3A_47 = arith.constant 0 : i32
      %sign3A_48 = arith.cmpi sgt, %jit3A, %sign3A_47 : i32
      %sign3A_49 = arith.extui %sign3A_48 : i1 to i32
      %sign3A_50 = arith.constant 0 : i32
      %sign3A_51 = arith.cmpi slt, %jit3A, %sign3A_50 : i32
      %sign3A_52 = arith.extui %sign3A_51 : i1 to i32
      %sign3A_53 = arith.subi %sign3A_49, %sign3A_52 : i32
      %ne3A = vector.broadcast %sign3A_53 : i32 to vector<168x12xi32>
      %ne3A_54 = arith.cmpi ne, %sign3A_46, %ne3A : vector<168x12xi32>
      %rem3A = vector.broadcast %jit3A : i32 to vector<168x12xi32>
      %rem3A_55 = arith.remsi %iota3A, %rem3A : vector<168x12xi32>
      %ne3A_56 = arith.constant 0 : i32
      %ne3A_57 = vector.broadcast %ne3A_56 : i32 to vector<168x12xi32>
      %ne3A_58 = arith.cmpi ne, %rem3A_55, %ne3A_57 : vector<168x12xi32>
      %and3A = arith.andi %ne3A_54, %ne3A_58 : vector<168x12xi1>
      %sub3A = arith.constant 1 : i32
      %sub3A_59 = vector.broadcast %sub3A : i32 to vector<168x12xi32>
      %sub3A_60 = arith.subi %div3A_38, %sub3A_59 : vector<168x12xi32>
      %select_n3A = arith.select %and3A, %sub3A_60, %div3A_38 : vector<168x12xi1>, vector<168x12xi32>
      %iota3A_61 = tpu.iota {dimensions = array<i32: 1>} : vector<168x12xi32>
      %eq3A_62 = arith.cmpi eq, %select_n3A, %iota3A_61 : vector<168x12xi32>
      %convert_element_type3A_63 = arith.extui %eq3A_62 : vector<168x12xi1> to vector<168x12xi32>
      %convert_element_type3A_64 = arith.sitofp %convert_element_type3A_63 : vector<168x12xi32> to vector<168x12xf32>
      %iota3A_65 = tpu.iota {dimensions = array<i32: 0>} : vector<168x7xi32>
      %jit3A_66 = arith.constant 14 : i32
      %eq3A_67 = arith.constant 0 : i32
      %eq3A_68 = arith.cmpi eq, %jit3A_66, %eq3A_67 : i32
      %jit3A_69 = arith.constant 1 : i32
      %select_n3A_70 = arith.select %eq3A_68, %jit3A_69, %jit3A_66 : i32
      %rem3A_71 = vector.broadcast %select_n3A_70 : i32 to vector<168x7xi32>
      %rem3A_72 = arith.remsi %iota3A_65, %rem3A_71 : vector<168x7xi32>
      %ne3A_73 = arith.constant 0 : i32
      %ne3A_74 = vector.broadcast %ne3A_73 : i32 to vector<168x7xi32>
      %ne3A_75 = arith.cmpi ne, %rem3A_72, %ne3A_74 : vector<168x7xi32>
      %lt3A = arith.constant 0 : i32
      %lt3A_76 = vector.broadcast %lt3A : i32 to vector<168x7xi32>
      %lt3A_77 = arith.cmpi slt, %rem3A_72, %lt3A_76 : vector<168x7xi32>
      %lt3A_78 = arith.constant 0 : i32
      %lt3A_79 = arith.cmpi slt, %select_n3A_70, %lt3A_78 : i32
      %ne3A_80 = vector.broadcast %lt3A_79 : i1 to vector<168x7xi1>
      %ne3A_81 = vector.broadcast %ne3A_80 : vector<168x7xi1> to vector<168x7xi1>
      %ne3A_82 = arith.xori %lt3A_77, %ne3A_81 : vector<168x7xi1>
      %and3A_83 = arith.andi %ne3A_82, %ne3A_75 : vector<168x7xi1>
      %add3A_84 = vector.broadcast %select_n3A_70 : i32 to vector<168x7xi32>
      %add3A_85 = arith.addi %rem3A_72, %add3A_84 : vector<168x7xi32>
      %select_n3A_86 = arith.select %and3A_83, %add3A_85, %rem3A_72 : vector<168x7xi1>, vector<168x7xi32>
      %jit3A_87 = arith.constant 2 : i32
      %div3A_88 = vector.broadcast %jit3A_87 : i32 to vector<168x7xi32>
      %div3A_89 = arith.divsi %select_n3A_86, %div3A_88 : vector<168x7xi32>
      %sign3A_90 = arith.constant 0 : i32
      %sign3A_91 = vector.broadcast %sign3A_90 : i32 to vector<168x7xi32>
      %sign3A_92 = arith.cmpi sgt, %select_n3A_86, %sign3A_91 : vector<168x7xi32>
      %sign3A_93 = arith.extui %sign3A_92 : vector<168x7xi1> to vector<168x7xi32>
      %sign3A_94 = arith.constant 0 : i32
      %sign3A_95 = vector.broadcast %sign3A_94 : i32 to vector<168x7xi32>
      %sign3A_96 = arith.cmpi slt, %select_n3A_86, %sign3A_95 : vector<168x7xi32>
      %sign3A_97 = arith.extui %sign3A_96 : vector<168x7xi1> to vector<168x7xi32>
      %sign3A_98 = arith.subi %sign3A_93, %sign3A_97 : vector<168x7xi32>
      %sign3A_99 = arith.constant 0 : i32
      %sign3A_100 = arith.cmpi sgt, %jit3A_87, %sign3A_99 : i32
      %sign3A_101 = arith.extui %sign3A_100 : i1 to i32
      %sign3A_102 = arith.constant 0 : i32
      %sign3A_103 = arith.cmpi slt, %jit3A_87, %sign3A_102 : i32
      %sign3A_104 = arith.extui %sign3A_103 : i1 to i32
      %sign3A_105 = arith.subi %sign3A_101, %sign3A_104 : i32
      %ne3A_106 = vector.broadcast %sign3A_105 : i32 to vector<168x7xi32>
      %ne3A_107 = arith.cmpi ne, %sign3A_98, %ne3A_106 : vector<168x7xi32>
      %rem3A_108 = vector.broadcast %jit3A_87 : i32 to vector<168x7xi32>
      %rem3A_109 = arith.remsi %select_n3A_86, %rem3A_108 : vector<168x7xi32>
      %ne3A_110 = arith.constant 0 : i32
      %ne3A_111 = vector.broadcast %ne3A_110 : i32 to vector<168x7xi32>
      %ne3A_112 = arith.cmpi ne, %rem3A_109, %ne3A_111 : vector<168x7xi32>
      %and3A_113 = arith.andi %ne3A_107, %ne3A_112 : vector<168x7xi1>
      %sub3A_114 = arith.constant 1 : i32
      %sub3A_115 = vector.broadcast %sub3A_114 : i32 to vector<168x7xi32>
      %sub3A_116 = arith.subi %div3A_89, %sub3A_115 : vector<168x7xi32>
      %select_n3A_117 = arith.select %and3A_113, %sub3A_116, %div3A_89 : vector<168x7xi1>, vector<168x7xi32>
      %iota3A_118 = tpu.iota {dimensions = array<i32: 1>} : vector<168x7xi32>
      %eq3A_119 = arith.cmpi eq, %select_n3A_117, %iota3A_118 : vector<168x7xi32>
      %convert_element_type3A_120 = arith.extui %eq3A_119 : vector<168x7xi1> to vector<168x7xi32>
      %convert_element_type3A_121 = arith.sitofp %convert_element_type3A_120 : vector<168x7xi32> to vector<168x7xf32>
      %iota3A_122 = tpu.iota {dimensions = array<i32: 0>} : vector<168x2xi32>
      %jit3A_123 = arith.constant 2 : i32
      %eq3A_124 = arith.constant 0 : i32
      %eq3A_125 = arith.cmpi eq, %jit3A_123, %eq3A_124 : i32
      %jit3A_126 = arith.constant 1 : i32
      %select_n3A_127 = arith.select %eq3A_125, %jit3A_126, %jit3A_123 : i32
      %rem3A_128 = vector.broadcast %select_n3A_127 : i32 to vector<168x2xi32>
      %rem3A_129 = arith.remsi %iota3A_122, %rem3A_128 : vector<168x2xi32>
      %ne3A_130 = arith.constant 0 : i32
      %ne3A_131 = vector.broadcast %ne3A_130 : i32 to vector<168x2xi32>
      %ne3A_132 = arith.cmpi ne, %rem3A_129, %ne3A_131 : vector<168x2xi32>
      %lt3A_133 = arith.constant 0 : i32
      %lt3A_134 = vector.broadcast %lt3A_133 : i32 to vector<168x2xi32>
      %lt3A_135 = arith.cmpi slt, %rem3A_129, %lt3A_134 : vector<168x2xi32>
      %lt3A_136 = arith.constant 0 : i32
      %lt3A_137 = arith.cmpi slt, %select_n3A_127, %lt3A_136 : i32
      %ne3A_138 = vector.broadcast %lt3A_137 : i1 to vector<168x2xi1>
      %ne3A_139 = vector.broadcast %ne3A_138 : vector<168x2xi1> to vector<168x2xi1>
      %ne3A_140 = arith.xori %lt3A_135, %ne3A_139 : vector<168x2xi1>
      %and3A_141 = arith.andi %ne3A_140, %ne3A_132 : vector<168x2xi1>
      %add3A_142 = vector.broadcast %select_n3A_127 : i32 to vector<168x2xi32>
      %add3A_143 = arith.addi %rem3A_129, %add3A_142 : vector<168x2xi32>
      %select_n3A_144 = arith.select %and3A_141, %add3A_143, %rem3A_129 : vector<168x2xi1>, vector<168x2xi32>
      %iota3A_145 = tpu.iota {dimensions = array<i32: 1>} : vector<168x2xi32>
      %eq3A_146 = arith.cmpi eq, %select_n3A_144, %iota3A_145 : vector<168x2xi32>
      %convert_element_type3A_147 = arith.extui %eq3A_146 : vector<168x2xi1> to vector<168x2xi32>
      %convert_element_type3A_148 = arith.sitofp %convert_element_type3A_147 : vector<168x2xi32> to vector<168x2xf32>
      %get3A_149 = arith.constant 0 : index
      %get3A_150 = arith.constant 0 : index
      %get3A_151 = vector.load %arg1[%get3A_149, %get3A_150] : memref<12x128xf32, #tpu.memory_space<vmem>>, vector<12x128xf32>
      %dot_general3A_152 = arith.constant dense<0.000000e+00> : vector<168x128xf32>
      %dot_general3A_153 = tpu.matmul %convert_element_type3A_64, %get3A_151, %dot_general3A_152 {dimension_numbers = #tpu.dot_dimension_numbers<[1], [0], [0], [1], [0, 0, 1, 1], [], []>, transpose_lhs_hint = false} : vector<168x12xf32>, vector<12x128xf32>, vector<168x128xf32> -> vector<168x128xf32>
      %dot_general3A_154 = arith.constant dense<0.000000e+00> : vector<168x128xf32>
      %dot_general3A_155 = tpu.matmul %convert_element_type3A_121, %add3A_24, %dot_general3A_154 {dimension_numbers = #tpu.dot_dimension_numbers<[1], [0], [0], [1], [0, 0, 1, 1], [], []>, transpose_lhs_hint = false} : vector<168x7xf32>, vector<7x128xf32>, vector<168x128xf32> -> vector<168x128xf32>
      %add3A_156 = arith.addf %dot_general3A_153, %dot_general3A_155 : vector<168x128xf32>
      %dot_general3A_157 = arith.constant dense<0.000000e+00> : vector<168x128xf32>
      %dot_general3A_158 = tpu.matmul %convert_element_type3A_148, %add3A_37, %dot_general3A_157 {dimension_numbers = #tpu.dot_dimension_numbers<[1], [0], [0], [1], [0, 0, 1, 1], [], []>, transpose_lhs_hint = false} : vector<168x2xf32>, vector<2x128xf32>, vector<168x128xf32> -> vector<168x128xf32>
      %add3A_159 = arith.addf %add3A_156, %dot_general3A_158 : vector<168x128xf32>
      %swap3A_160 = arith.constant 0 : index
      %swap3A_161 = arith.constant 0 : index
      %swap3A_162 = vector.load %arg10[%swap3A_160, %swap3A_161] : memref<168x128xf32, #tpu.memory_space<vmem>>, vector<168x128xf32>
      tpu.vector_store %arg10[%swap3A_160, %swap3A_161], %add3A_159 {strides = array<i32>} : memref<168x128xf32, #tpu.memory_space<vmem>>, vector<168x128xf32>,
    } else {
    }
    %get3A = arith.constant 0 : index
    %get3A_2 = arith.constant 0 : index
    %get3A_3 = vector.load %arg10[%get3A, %get3A_2] : memref<168x128xf32, #tpu.memory_space<vmem>>, vector<168x128xf32>
    %broadcast_in_dim3A = vector.shape_cast %get3A_3 : vector<168x128xf32> to vector<1x168x128xf32>
    %get3A_4 = arith.constant 0 : index
    %get3A_5 = arith.constant 0 : index
    %get3A_6 = vector.load %arg8[%get3A_4, %get3A_5] : memref<8x128xf32, #tpu.memory_space<vmem>>, vector<8x128xf32>
    %broadcast_in_dim3A_7 = vector.shape_cast %get3A_6 : vector<8x128xf32> to vector<8x1x128xf32>
    %add3A = vector.broadcast %broadcast_in_dim3A : vector<1x168x128xf32> to vector<8x168x128xf32>
    %add3A_8 = vector.broadcast %broadcast_in_dim3A_7 : vector<8x1x128xf32> to vector<8x168x128xf32>
    %add3A_9 = arith.addf %add3A, %add3A_8 : vector<8x168x128xf32>
    %swap3A = arith.constant 0 : index
    %swap3A_10 = arith.constant 0 : index
    %swap3A_11 = arith.constant 0 : index
    %swap3A_12 = vector.load %arg9[%swap3A, %swap3A_10, %swap3A_11] : memref<8x168x128xf32, #tpu.memory_space<vmem>>, vector<8x168x128xf32>
    tpu.vector_store %arg9[%swap3A, %swap3A_10, %swap3A_11], %add3A_9 {strides = array<i32>} : memref<8x168x128xf32, #tpu.memory_space<vmem>>, vector<8x168x128xf32>,
    return
  }
  func.func @transform_0(%arg0: i32) -> (i32, i32) {
    %c0_i32 = arith.constant 0 : i32
    %c0_i32_0 = arith.constant 0 : i32
    %c0_i32_1 = arith.constant 0 : i32
    return %c0_i32, %c0_i32_0 : i32, i32
  }
  func.func @transform_1(%arg0: i32) -> (i32, i32) {
    %c0_i32 = arith.constant 0 : i32
    %c0_i32_0 = arith.constant 0 : i32
    %c0_i32_1 = arith.constant 0 : i32
    return %c0_i32, %c0_i32_0 : i32, i32
  }
  func.func @transform_2(%arg0: i32) -> (i32, i32) {
    %c0_i32 = arith.constant 0 : i32
    %c0_i32_0 = arith.constant 0 : i32
    %c0_i32_1 = arith.constant 0 : i32
    return %c0_i32, %c0_i32_0 : i32, i32
  }
  func.func @transform_3(%arg0: i32) -> (i32, i32) {
    %c0_i32 = arith.constant 0 : i32
    %c0_i32_0 = arith.constant 0 : i32
    %c0_i32_1 = arith.constant 0 : i32
    return %c0_i32, %c0_i32_0 : i32, i32
  }
  func.func @transform_4(%arg0: i32) -> (i32, i32) {
    %c0_i32 = arith.constant 0 : i32
    %c0_i32_0 = arith.constant 0 : i32
    %c0_i32_1 = arith.constant 0 : i32
    return %c0_i32, %c0_i32_0 : i32, i32
  }
  func.func @transform_5(%arg0: i32) -> (i32, i32) {
    %c0_i32 = arith.constant 0 : i32
    %c0_i32_0 = arith.constant 0 : i32
    %c0_i32_1 = arith.constant 0 : i32
    return %c0_i32, %c0_i32_0 : i32, i32
  }
  func.func @transform_6(%arg0: i32) -> (i32, i32) {
    %c0_i32 = arith.constant 0 : i32
    %c0_i32_0 = arith.constant 0 : i32
    %c0_i32_1 = arith.constant 0 : i32
    return %c0_i32, %c0_i32_0 : i32, i32
  }
  func.func @transform_7(%arg0: i32) -> (i32, i32) {
    %c0_i32 = arith.constant 0 : i32
    %c0_i32_0 = arith.constant 0 : i32
    return %arg0, %c0_i32 : i32, i32
  }
  func.func @transform_8(%arg0: i32) -> (i32, i32, i32) {
    %c0_i32 = arith.constant 0 : i32
    %c0_i32_0 = arith.constant 0 : i32
    %c0_i32_1 = arith.constant 0 : i32
    return %arg0, %c0_i32, %c0_i32_0 : i32, i32, i32
  }
}

module attributes {stable_mosaic.version = 14 : i64} {
  func.func @_idx_body(%arg0: i32, %arg1: memref<400x128xi32, #tpu.memory_space<vmem>>, %arg2: memref<400x128xi32, #tpu.memory_space<vmem>>, %arg3: memref<400x128xi32, #tpu.memory_space<vmem>>, %arg4: memref<400x128xi32, #tpu.memory_space<vmem>>) attributes {dimension_semantics = [#tpu.dimension_semantics<arbitrary>], iteration_bounds = array<i64: 14>, scalar_prefetch = 0 : i64, scratch_operands = 0 : i64, tpu.core_type = #tpu.core_type<tc>, window_params = [{transform_indices = @transform_0, window_bounds = array<i64: 400, 128>}, {transform_indices = @transform_1, window_bounds = array<i64: 400, 128>}, {transform_indices = @transform_2, window_bounds = array<i64: 400, 128>}, {transform_indices = @transform_3, window_bounds = array<i64: 400, 128>}]} {
    %get3A = arith.constant 0 : index
    %get3A_0 = arith.constant 0 : index
    %get3A_1 = vector.load %arg1[%get3A, %get3A_0] : memref<400x128xi32, #tpu.memory_space<vmem>>, vector<400x128xi32>
    %sub3A = arith.constant 1 : i32
    %sub3A_2 = vector.broadcast %sub3A : i32 to vector<400x128xi32>
    %sub3A_3 = arith.subi %get3A_1, %sub3A_2 : vector<400x128xi32>
    %mul3A = arith.constant 14 : i32
    %mul3A_4 = vector.broadcast %mul3A : i32 to vector<400x128xi32>
    %mul3A_5 = arith.muli %sub3A_3, %mul3A_4 : vector<400x128xi32>
    %get3A_6 = arith.constant 0 : index
    %get3A_7 = arith.constant 0 : index
    %get3A_8 = vector.load %arg2[%get3A_6, %get3A_7] : memref<400x128xi32, #tpu.memory_space<vmem>>, vector<400x128xi32>
    %mul3A_9 = arith.constant 2 : i32
    %mul3A_10 = vector.broadcast %mul3A_9 : i32 to vector<400x128xi32>
    %mul3A_11 = arith.muli %get3A_8, %mul3A_10 : vector<400x128xi32>
    %add3A = arith.addi %mul3A_5, %mul3A_11 : vector<400x128xi32>
    %get3A_12 = arith.constant 0 : index
    %get3A_13 = arith.constant 0 : index
    %get3A_14 = vector.load %arg3[%get3A_12, %get3A_13] : memref<400x128xi32, #tpu.memory_space<vmem>>, vector<400x128xi32>
    %add3A_15 = arith.addi %add3A, %get3A_14 : vector<400x128xi32>
    %swap3A = arith.constant 0 : index
    %swap3A_16 = arith.constant 0 : index
    %swap3A_17 = vector.load %arg4[%swap3A, %swap3A_16] : memref<400x128xi32, #tpu.memory_space<vmem>>, vector<400x128xi32>
    tpu.vector_store %arg4[%swap3A, %swap3A_16], %add3A_15 {strides = array<i32>} : memref<400x128xi32, #tpu.memory_space<vmem>>, vector<400x128xi32>,
    return
  }
  func.func @transform_0(%arg0: i32) -> (i32, i32) {
    %c0_i32 = arith.constant 0 : i32
    %c0_i32_0 = arith.constant 0 : i32
    return %arg0, %c0_i32 : i32, i32
  }
  func.func @transform_1(%arg0: i32) -> (i32, i32) {
    %c0_i32 = arith.constant 0 : i32
    %c0_i32_0 = arith.constant 0 : i32
    return %arg0, %c0_i32 : i32, i32
  }
  func.func @transform_2(%arg0: i32) -> (i32, i32) {
    %c0_i32 = arith.constant 0 : i32
    %c0_i32_0 = arith.constant 0 : i32
    return %arg0, %c0_i32 : i32, i32
  }
  func.func @transform_3(%arg0: i32) -> (i32, i32) {
    %c0_i32 = arith.constant 0 : i32
    %c0_i32_0 = arith.constant 0 : i32
    return %arg0, %c0_i32 : i32, i32
  }
}

module attributes {stable_mosaic.version = 14 : i64} {
  func.func @_tc_body(%arg0: i32, %arg1: memref<1x25x128xi32, #tpu.memory_space<vmem>>, %arg2: memref<12x128xf32, #tpu.memory_space<vmem>>, %arg3: memref<7x64xf32, #tpu.memory_space<vmem>>, %arg4: memref<2x32xf32, #tpu.memory_space<vmem>>, %arg5: memref<64x128xf32, #tpu.memory_space<vmem>>, %arg6: memref<1x128xf32, #tpu.memory_space<vmem>>, %arg7: memref<32x128xf32, #tpu.memory_space<vmem>>, %arg8: memref<1x128xf32, #tpu.memory_space<vmem>>, %arg9: memref<200x128xf32, #tpu.memory_space<vmem>>, %arg10: memref<3200x128xf32, #tpu.memory_space<vmem>>, %arg11: memref<168x128xf32, #tpu.memory_space<vmem>>, %arg12: memref<3200x128xf32, #tpu.memory_space<vmem>>) attributes {dimension_semantics = [#tpu.dimension_semantics<arbitrary>], iteration_bounds = array<i64: 224>, scalar_prefetch = 0 : i64, scratch_operands = 2 : i64, tpu.core_type = #tpu.core_type<tc>, window_params = [{transform_indices = @transform_0, window_bounds = array<i64: 1, 25, 128>}, {pipeline_mode = #tpu.pipeline_mode<synchronous>, transform_indices = @transform_1, window_bounds = array<i64: 12, 128>}, {pipeline_mode = #tpu.pipeline_mode<synchronous>, transform_indices = @transform_2, window_bounds = array<i64: 7, 64>}, {pipeline_mode = #tpu.pipeline_mode<synchronous>, transform_indices = @transform_3, window_bounds = array<i64: 2, 32>}, {pipeline_mode = #tpu.pipeline_mode<synchronous>, transform_indices = @transform_4, window_bounds = array<i64: 64, 128>}, {pipeline_mode = #tpu.pipeline_mode<synchronous>, transform_indices = @transform_5, window_bounds = array<i64: 1, 128>}, {pipeline_mode = #tpu.pipeline_mode<synchronous>, transform_indices = @transform_6, window_bounds = array<i64: 32, 128>}, {pipeline_mode = #tpu.pipeline_mode<synchronous>, transform_indices = @transform_7, window_bounds = array<i64: 1, 128>}, {pipeline_mode = #tpu.pipeline_mode<synchronous>, transform_indices = @transform_8, window_bounds = array<i64: 200, 128>}, {transform_indices = @transform_9, window_bounds = array<i64: 3200, 128>}]} {
    %eq3A = arith.constant 0 : i32
    %eq3A_0 = arith.cmpi eq, %arg0, %eq3A : i32
    %convert_element_type3A = arith.extui %eq3A_0 : i1 to i32
    %cond3A = arith.constant 0 : i32
    %cond3A_1 = arith.cmpi ne, %convert_element_type3A, %cond3A : i32
    scf.if %cond3A_1 {
      %get3A_404 = arith.constant 0 : index
      %get3A_405 = arith.constant 0 : index
      %get3A_406 = vector.load %arg3[%get3A_404, %get3A_405] : memref<7x64xf32, #tpu.memory_space<vmem>>, vector<7x64xf32>
      %get3A_407 = arith.constant 0 : index
      %get3A_408 = arith.constant 0 : index
      %get3A_409 = vector.load %arg5[%get3A_407, %get3A_408] : memref<64x128xf32, #tpu.memory_space<vmem>>, vector<64x128xf32>
      %dot_general3A_410 = arith.constant dense<0.000000e+00> : vector<7x128xf32>
      %dot_general3A_411 = tpu.matmul %get3A_406, %get3A_409, %dot_general3A_410 {dimension_numbers = #tpu.dot_dimension_numbers<[1], [0], [0], [1], [0, 0, 1, 1], [], []>, transpose_lhs_hint = false} : vector<7x64xf32>, vector<64x128xf32>, vector<7x128xf32> -> vector<7x128xf32>
      %get3A_412 = arith.constant 0 : index
      %get3A_413 = arith.constant 0 : index
      %get3A_414 = vector.load %arg4[%get3A_412, %get3A_413] : memref<2x32xf32, #tpu.memory_space<vmem>>, vector<2x32xf32>
      %get3A_415 = arith.constant 0 : index
      %get3A_416 = arith.constant 0 : index
      %get3A_417 = vector.load %arg7[%get3A_415, %get3A_416] : memref<32x128xf32, #tpu.memory_space<vmem>>, vector<32x128xf32>
      %dot_general3A_418 = arith.constant dense<0.000000e+00> : vector<2x128xf32>
      %dot_general3A_419 = tpu.matmul %get3A_414, %get3A_417, %dot_general3A_418 {dimension_numbers = #tpu.dot_dimension_numbers<[1], [0], [0], [1], [0, 0, 1, 1], [], []>, transpose_lhs_hint = false} : vector<2x32xf32>, vector<32x128xf32>, vector<2x128xf32> -> vector<2x128xf32>
      %iota3A_420 = tpu.iota {dimensions = array<i32: 0>} : vector<168x12xi32>
      %jit3A = arith.constant 14 : i32
      %div3A = vector.broadcast %jit3A : i32 to vector<168x12xi32>
      %div3A_421 = arith.divsi %iota3A_420, %div3A : vector<168x12xi32>
      %sign3A = arith.constant 0 : i32
      %sign3A_422 = vector.broadcast %sign3A : i32 to vector<168x12xi32>
      %sign3A_423 = arith.cmpi sgt, %iota3A_420, %sign3A_422 : vector<168x12xi32>
      %sign3A_424 = arith.extui %sign3A_423 : vector<168x12xi1> to vector<168x12xi32>
      %sign3A_425 = arith.constant 0 : i32
      %sign3A_426 = vector.broadcast %sign3A_425 : i32 to vector<168x12xi32>
      %sign3A_427 = arith.cmpi slt, %iota3A_420, %sign3A_426 : vector<168x12xi32>
      %sign3A_428 = arith.extui %sign3A_427 : vector<168x12xi1> to vector<168x12xi32>
      %sign3A_429 = arith.subi %sign3A_424, %sign3A_428 : vector<168x12xi32>
      %sign3A_430 = arith.constant 0 : i32
      %sign3A_431 = arith.cmpi sgt, %jit3A, %sign3A_430 : i32
      %sign3A_432 = arith.extui %sign3A_431 : i1 to i32
      %sign3A_433 = arith.constant 0 : i32
      %sign3A_434 = arith.cmpi slt, %jit3A, %sign3A_433 : i32
      %sign3A_435 = arith.extui %sign3A_434 : i1 to i32
      %sign3A_436 = arith.subi %sign3A_432, %sign3A_435 : i32
      %ne3A = vector.broadcast %sign3A_436 : i32 to vector<168x12xi32>
      %ne3A_437 = arith.cmpi ne, %sign3A_429, %ne3A : vector<168x12xi32>
      %rem3A = vector.broadcast %jit3A : i32 to vector<168x12xi32>
      %rem3A_438 = arith.remsi %iota3A_420, %rem3A : vector<168x12xi32>
      %ne3A_439 = arith.constant 0 : i32
      %ne3A_440 = vector.broadcast %ne3A_439 : i32 to vector<168x12xi32>
      %ne3A_441 = arith.cmpi ne, %rem3A_438, %ne3A_440 : vector<168x12xi32>
      %and3A = arith.andi %ne3A_437, %ne3A_441 : vector<168x12xi1>
      %sub3A = arith.constant 1 : i32
      %sub3A_442 = vector.broadcast %sub3A : i32 to vector<168x12xi32>
      %sub3A_443 = arith.subi %div3A_421, %sub3A_442 : vector<168x12xi32>
      %select_n3A = arith.select %and3A, %sub3A_443, %div3A_421 : vector<168x12xi1>, vector<168x12xi32>
      %iota3A_444 = tpu.iota {dimensions = array<i32: 1>} : vector<168x12xi32>
      %iota3A_445 = tpu.iota {dimensions = array<i32: 0>} : vector<168x7xi32>
      %jit3A_446 = arith.constant 14 : i32
      %eq3A_447 = arith.constant 0 : i32
      %eq3A_448 = arith.cmpi eq, %jit3A_446, %eq3A_447 : i32
      %jit3A_449 = arith.constant 1 : i32
      %select_n3A_450 = arith.select %eq3A_448, %jit3A_449, %jit3A_446 : i32
      %rem3A_451 = vector.broadcast %select_n3A_450 : i32 to vector<168x7xi32>
      %rem3A_452 = arith.remsi %iota3A_445, %rem3A_451 : vector<168x7xi32>
      %ne3A_453 = arith.constant 0 : i32
      %ne3A_454 = vector.broadcast %ne3A_453 : i32 to vector<168x7xi32>
      %ne3A_455 = arith.cmpi ne, %rem3A_452, %ne3A_454 : vector<168x7xi32>
      %lt3A = arith.constant 0 : i32
      %lt3A_456 = vector.broadcast %lt3A : i32 to vector<168x7xi32>
      %lt3A_457 = arith.cmpi slt, %rem3A_452, %lt3A_456 : vector<168x7xi32>
      %lt3A_458 = arith.constant 0 : i32
      %lt3A_459 = arith.cmpi slt, %select_n3A_450, %lt3A_458 : i32
      %ne3A_460 = vector.broadcast %lt3A_459 : i1 to vector<168x7xi1>
      %ne3A_461 = vector.broadcast %ne3A_460 : vector<168x7xi1> to vector<168x7xi1>
      %ne3A_462 = arith.xori %lt3A_457, %ne3A_461 : vector<168x7xi1>
      %and3A_463 = arith.andi %ne3A_462, %ne3A_455 : vector<168x7xi1>
      %add3A_464 = vector.broadcast %select_n3A_450 : i32 to vector<168x7xi32>
      %add3A_465 = arith.addi %rem3A_452, %add3A_464 : vector<168x7xi32>
      %select_n3A_466 = arith.select %and3A_463, %add3A_465, %rem3A_452 : vector<168x7xi1>, vector<168x7xi32>
      %jit3A_467 = arith.constant 2 : i32
      %div3A_468 = vector.broadcast %jit3A_467 : i32 to vector<168x7xi32>
      %div3A_469 = arith.divsi %select_n3A_466, %div3A_468 : vector<168x7xi32>
      %sign3A_470 = arith.constant 0 : i32
      %sign3A_471 = vector.broadcast %sign3A_470 : i32 to vector<168x7xi32>
      %sign3A_472 = arith.cmpi sgt, %select_n3A_466, %sign3A_471 : vector<168x7xi32>
      %sign3A_473 = arith.extui %sign3A_472 : vector<168x7xi1> to vector<168x7xi32>
      %sign3A_474 = arith.constant 0 : i32
      %sign3A_475 = vector.broadcast %sign3A_474 : i32 to vector<168x7xi32>
      %sign3A_476 = arith.cmpi slt, %select_n3A_466, %sign3A_475 : vector<168x7xi32>
      %sign3A_477 = arith.extui %sign3A_476 : vector<168x7xi1> to vector<168x7xi32>
      %sign3A_478 = arith.subi %sign3A_473, %sign3A_477 : vector<168x7xi32>
      %sign3A_479 = arith.constant 0 : i32
      %sign3A_480 = arith.cmpi sgt, %jit3A_467, %sign3A_479 : i32
      %sign3A_481 = arith.extui %sign3A_480 : i1 to i32
      %sign3A_482 = arith.constant 0 : i32
      %sign3A_483 = arith.cmpi slt, %jit3A_467, %sign3A_482 : i32
      %sign3A_484 = arith.extui %sign3A_483 : i1 to i32
      %sign3A_485 = arith.subi %sign3A_481, %sign3A_484 : i32
      %ne3A_486 = vector.broadcast %sign3A_485 : i32 to vector<168x7xi32>
      %ne3A_487 = arith.cmpi ne, %sign3A_478, %ne3A_486 : vector<168x7xi32>
      %rem3A_488 = vector.broadcast %jit3A_467 : i32 to vector<168x7xi32>
      %rem3A_489 = arith.remsi %select_n3A_466, %rem3A_488 : vector<168x7xi32>
      %ne3A_490 = arith.constant 0 : i32
      %ne3A_491 = vector.broadcast %ne3A_490 : i32 to vector<168x7xi32>
      %ne3A_492 = arith.cmpi ne, %rem3A_489, %ne3A_491 : vector<168x7xi32>
      %and3A_493 = arith.andi %ne3A_487, %ne3A_492 : vector<168x7xi1>
      %sub3A_494 = arith.constant 1 : i32
      %sub3A_495 = vector.broadcast %sub3A_494 : i32 to vector<168x7xi32>
      %sub3A_496 = arith.subi %div3A_469, %sub3A_495 : vector<168x7xi32>
      %select_n3A_497 = arith.select %and3A_493, %sub3A_496, %div3A_469 : vector<168x7xi1>, vector<168x7xi32>
      %iota3A_498 = tpu.iota {dimensions = array<i32: 1>} : vector<168x7xi32>
      %iota3A_499 = tpu.iota {dimensions = array<i32: 0>} : vector<168x2xi32>
      %jit3A_500 = arith.constant 2 : i32
      %eq3A_501 = arith.constant 0 : i32
      %eq3A_502 = arith.cmpi eq, %jit3A_500, %eq3A_501 : i32
      %jit3A_503 = arith.constant 1 : i32
      %select_n3A_504 = arith.select %eq3A_502, %jit3A_503, %jit3A_500 : i32
      %rem3A_505 = vector.broadcast %select_n3A_504 : i32 to vector<168x2xi32>
      %rem3A_506 = arith.remsi %iota3A_499, %rem3A_505 : vector<168x2xi32>
      %ne3A_507 = arith.constant 0 : i32
      %ne3A_508 = vector.broadcast %ne3A_507 : i32 to vector<168x2xi32>
      %ne3A_509 = arith.cmpi ne, %rem3A_506, %ne3A_508 : vector<168x2xi32>
      %lt3A_510 = arith.constant 0 : i32
      %lt3A_511 = vector.broadcast %lt3A_510 : i32 to vector<168x2xi32>
      %lt3A_512 = arith.cmpi slt, %rem3A_506, %lt3A_511 : vector<168x2xi32>
      %lt3A_513 = arith.constant 0 : i32
      %lt3A_514 = arith.cmpi slt, %select_n3A_504, %lt3A_513 : i32
      %ne3A_515 = vector.broadcast %lt3A_514 : i1 to vector<168x2xi1>
      %ne3A_516 = vector.broadcast %ne3A_515 : vector<168x2xi1> to vector<168x2xi1>
      %ne3A_517 = arith.xori %lt3A_512, %ne3A_516 : vector<168x2xi1>
      %and3A_518 = arith.andi %ne3A_517, %ne3A_509 : vector<168x2xi1>
      %add3A_519 = vector.broadcast %select_n3A_504 : i32 to vector<168x2xi32>
      %add3A_520 = arith.addi %rem3A_506, %add3A_519 : vector<168x2xi32>
      %select_n3A_521 = arith.select %and3A_518, %add3A_520, %rem3A_506 : vector<168x2xi1>, vector<168x2xi32>
      %iota3A_522 = tpu.iota {dimensions = array<i32: 1>} : vector<168x2xi32>
      %eq3A_523 = arith.cmpi eq, %select_n3A, %iota3A_444 : vector<168x12xi32>
      %convert_element_type3A_524 = arith.extui %eq3A_523 : vector<168x12xi1> to vector<168x12xi32>
      %convert_element_type3A_525 = arith.sitofp %convert_element_type3A_524 : vector<168x12xi32> to vector<168x12xf32>
      %get3A_526 = arith.constant 0 : index
      %get3A_527 = arith.constant 0 : index
      %get3A_528 = vector.load %arg2[%get3A_526, %get3A_527] : memref<12x128xf32, #tpu.memory_space<vmem>>, vector<12x128xf32>
      %dot_general3A_529 = arith.constant dense<0.000000e+00> : vector<168x128xf32>
      %dot_general3A_530 = tpu.matmul %convert_element_type3A_525, %get3A_528, %dot_general3A_529 {dimension_numbers = #tpu.dot_dimension_numbers<[1], [0], [0], [1], [0, 0, 1, 1], [], []>, transpose_lhs_hint = false} : vector<168x12xf32>, vector<12x128xf32>, vector<168x128xf32> -> vector<168x128xf32>
      %eq3A_531 = arith.cmpi eq, %select_n3A_497, %iota3A_498 : vector<168x7xi32>
      %convert_element_type3A_532 = arith.extui %eq3A_531 : vector<168x7xi1> to vector<168x7xi32>
      %convert_element_type3A_533 = arith.sitofp %convert_element_type3A_532 : vector<168x7xi32> to vector<168x7xf32>
      %dot_general3A_534 = arith.constant dense<0.000000e+00> : vector<168x128xf32>
      %dot_general3A_535 = tpu.matmul %convert_element_type3A_533, %dot_general3A_411, %dot_general3A_534 {dimension_numbers = #tpu.dot_dimension_numbers<[1], [0], [0], [1], [0, 0, 1, 1], [], []>, transpose_lhs_hint = false} : vector<168x7xf32>, vector<7x128xf32>, vector<168x128xf32> -> vector<168x128xf32>
      %add3A_536 = arith.addf %dot_general3A_530, %dot_general3A_535 : vector<168x128xf32>
      %eq3A_537 = arith.cmpi eq, %select_n3A_521, %iota3A_522 : vector<168x2xi32>
      %convert_element_type3A_538 = arith.extui %eq3A_537 : vector<168x2xi1> to vector<168x2xi32>
      %convert_element_type3A_539 = arith.sitofp %convert_element_type3A_538 : vector<168x2xi32> to vector<168x2xf32>
      %dot_general3A_540 = arith.constant dense<0.000000e+00> : vector<168x128xf32>
      %dot_general3A_541 = tpu.matmul %convert_element_type3A_539, %dot_general3A_419, %dot_general3A_540 {dimension_numbers = #tpu.dot_dimension_numbers<[1], [0], [0], [1], [0, 0, 1, 1], [], []>, transpose_lhs_hint = false} : vector<168x2xf32>, vector<2x128xf32>, vector<168x128xf32> -> vector<168x128xf32>
      %add3A_542 = arith.addf %add3A_536, %dot_general3A_541 : vector<168x128xf32>
      %swap3A_543 = arith.constant 0 : index
      %swap3A_544 = arith.constant 0 : index
      %swap3A_545 = vector.load %arg11[%swap3A_543, %swap3A_544] : memref<168x128xf32, #tpu.memory_space<vmem>>, vector<168x128xf32>
      tpu.vector_store %arg11[%swap3A_543, %swap3A_544], %add3A_542 {strides = array<i32>} : memref<168x128xf32, #tpu.memory_space<vmem>>, vector<168x128xf32>,
      %get3A_546 = arith.constant 0 : index
      %get3A_547 = arith.constant 0 : index
      %get3A_548 = vector.load %arg9[%get3A_546, %get3A_547] : memref<200x128xf32, #tpu.memory_space<vmem>>, vector<200x128xf32>
      %get3A_549 = arith.constant 0 : index
      %get3A_550 = arith.constant 0 : index
      %get3A_551 = vector.load %arg6[%get3A_549, %get3A_550] : memref<1x128xf32, #tpu.memory_space<vmem>>, vector<1x128xf32>
      %add3A_552 = vector.broadcast %get3A_551 : vector<1x128xf32> to vector<200x128xf32>
      %add3A_553 = arith.addf %get3A_548, %add3A_552 : vector<200x128xf32>
      %get3A_554 = arith.constant 0 : index
      %get3A_555 = arith.constant 0 : index
      %get3A_556 = vector.load %arg8[%get3A_554, %get3A_555] : memref<1x128xf32, #tpu.memory_space<vmem>>, vector<1x128xf32>
      %add3A_557 = vector.broadcast %get3A_556 : vector<1x128xf32> to vector<200x128xf32>
      %add3A_558 = arith.addf %add3A_553, %add3A_557 : vector<200x128xf32>
      %swap3A_559 = arith.constant 0 : index
      %swap3A_560 = arith.constant 0 : index
      %swap3A_561 = vector.load %arg12[%swap3A_559, %swap3A_560] : memref<3200x128xf32, #tpu.memory_space<vmem>>, vector<200x128xf32>
      tpu.vector_store %arg12[%swap3A_559, %swap3A_560], %add3A_558 {strides = array<i32>} : memref<3200x128xf32, #tpu.memory_space<vmem>>, vector<200x128xf32>,
      %swap3A_562 = arith.constant 200 : index
      %swap3A_563 = arith.constant 0 : index
      %swap3A_564 = vector.load %arg12[%swap3A_562, %swap3A_563] : memref<3200x128xf32, #tpu.memory_space<vmem>>, vector<200x128xf32>
      tpu.vector_store %arg12[%swap3A_562, %swap3A_563], %add3A_558 {strides = array<i32>} : memref<3200x128xf32, #tpu.memory_space<vmem>>, vector<200x128xf32>,
      %swap3A_565 = arith.constant 400 : index
      %swap3A_566 = arith.constant 0 : index
      %swap3A_567 = vector.load %arg12[%swap3A_565, %swap3A_566] : memref<3200x128xf32, #tpu.memory_space<vmem>>, vector<200x128xf32>
      tpu.vector_store %arg12[%swap3A_565, %swap3A_566], %add3A_558 {strides = array<i32>} : memref<3200x128xf32, #tpu.memory_space<vmem>>, vector<200x128xf32>,
      %swap3A_568 = arith.constant 600 : index
      %swap3A_569 = arith.constant 0 : index
      %swap3A_570 = vector.load %arg12[%swap3A_568, %swap3A_569] : memref<3200x128xf32, #tpu.memory_space<vmem>>, vector<200x128xf32>
      tpu.vector_store %arg12[%swap3A_568, %swap3A_569], %add3A_558 {strides = array<i32>} : memref<3200x128xf32, #tpu.memory_space<vmem>>, vector<200x128xf32>,
      %swap3A_571 = arith.constant 800 : index
      %swap3A_572 = arith.constant 0 : index
      %swap3A_573 = vector.load %arg12[%swap3A_571, %swap3A_572] : memref<3200x128xf32, #tpu.memory_space<vmem>>, vector<200x128xf32>
      tpu.vector_store %arg12[%swap3A_571, %swap3A_572], %add3A_558 {strides = array<i32>} : memref<3200x128xf32, #tpu.memory_space<vmem>>, vector<200x128xf32>,
      %swap3A_574 = arith.constant 1000 : index
      %swap3A_575 = arith.constant 0 : index
      %swap3A_576 = vector.load %arg12[%swap3A_574, %swap3A_575] : memref<3200x128xf32, #tpu.memory_space<vmem>>, vector<200x128xf32>
      tpu.vector_store %arg12[%swap3A_574, %swap3A_575], %add3A_558 {strides = array<i32>} : memref<3200x128xf32, #tpu.memory_space<vmem>>, vector<200x128xf32>,
      %swap3A_577 = arith.constant 1200 : index
      %swap3A_578 = arith.constant 0 : index
      %swap3A_579 = vector.load %arg12[%swap3A_577, %swap3A_578] : memref<3200x128xf32, #tpu.memory_space<vmem>>, vector<200x128xf32>
      tpu.vector_store %arg12[%swap3A_577, %swap3A_578], %add3A_558 {strides = array<i32>} : memref<3200x128xf32, #tpu.memory_space<vmem>>, vector<200x128xf32>,
      %swap3A_580 = arith.constant 1400 : index
      %swap3A_581 = arith.constant 0 : index
      %swap3A_582 = vector.load %arg12[%swap3A_580, %swap3A_581] : memref<3200x128xf32, #tpu.memory_space<vmem>>, vector<200x128xf32>
      tpu.vector_store %arg12[%swap3A_580, %swap3A_581], %add3A_558 {strides = array<i32>} : memref<3200x128xf32, #tpu.memory_space<vmem>>, vector<200x128xf32>,
      %swap3A_583 = arith.constant 1600 : index
      %swap3A_584 = arith.constant 0 : index
      %swap3A_585 = vector.load %arg12[%swap3A_583, %swap3A_584] : memref<3200x128xf32, #tpu.memory_space<vmem>>, vector<200x128xf32>
      tpu.vector_store %arg12[%swap3A_583, %swap3A_584], %add3A_558 {strides = array<i32>} : memref<3200x128xf32, #tpu.memory_space<vmem>>, vector<200x128xf32>,
      %swap3A_586 = arith.constant 1800 : index
      %swap3A_587 = arith.constant 0 : index
      %swap3A_588 = vector.load %arg12[%swap3A_586, %swap3A_587] : memref<3200x128xf32, #tpu.memory_space<vmem>>, vector<200x128xf32>
      tpu.vector_store %arg12[%swap3A_586, %swap3A_587], %add3A_558 {strides = array<i32>} : memref<3200x128xf32, #tpu.memory_space<vmem>>, vector<200x128xf32>,
      %swap3A_589 = arith.constant 2000 : index
      %swap3A_590 = arith.constant 0 : index
      %swap3A_591 = vector.load %arg12[%swap3A_589, %swap3A_590] : memref<3200x128xf32, #tpu.memory_space<vmem>>, vector<200x128xf32>
      tpu.vector_store %arg12[%swap3A_589, %swap3A_590], %add3A_558 {strides = array<i32>} : memref<3200x128xf32, #tpu.memory_space<vmem>>, vector<200x128xf32>,
      %swap3A_592 = arith.constant 2200 : index
      %swap3A_593 = arith.constant 0 : index
      %swap3A_594 = vector.load %arg12[%swap3A_592, %swap3A_593] : memref<3200x128xf32, #tpu.memory_space<vmem>>, vector<200x128xf32>
      tpu.vector_store %arg12[%swap3A_592, %swap3A_593], %add3A_558 {strides = array<i32>} : memref<3200x128xf32, #tpu.memory_space<vmem>>, vector<200x128xf32>,
      %swap3A_595 = arith.constant 2400 : index
      %swap3A_596 = arith.constant 0 : index
      %swap3A_597 = vector.load %arg12[%swap3A_595, %swap3A_596] : memref<3200x128xf32, #tpu.memory_space<vmem>>, vector<200x128xf32>
      tpu.vector_store %arg12[%swap3A_595, %swap3A_596], %add3A_558 {strides = array<i32>} : memref<3200x128xf32, #tpu.memory_space<vmem>>, vector<200x128xf32>,
      %swap3A_598 = arith.constant 2600 : index
      %swap3A_599 = arith.constant 0 : index
      %swap3A_600 = vector.load %arg12[%swap3A_598, %swap3A_599] : memref<3200x128xf32, #tpu.memory_space<vmem>>, vector<200x128xf32>
      tpu.vector_store %arg12[%swap3A_598, %swap3A_599], %add3A_558 {strides = array<i32>} : memref<3200x128xf32, #tpu.memory_space<vmem>>, vector<200x128xf32>,
      %swap3A_601 = arith.constant 2800 : index
      %swap3A_602 = arith.constant 0 : index
      %swap3A_603 = vector.load %arg12[%swap3A_601, %swap3A_602] : memref<3200x128xf32, #tpu.memory_space<vmem>>, vector<200x128xf32>
      tpu.vector_store %arg12[%swap3A_601, %swap3A_602], %add3A_558 {strides = array<i32>} : memref<3200x128xf32, #tpu.memory_space<vmem>>, vector<200x128xf32>,
      %swap3A_604 = arith.constant 3000 : index
      %swap3A_605 = arith.constant 0 : index
      %swap3A_606 = vector.load %arg12[%swap3A_604, %swap3A_605] : memref<3200x128xf32, #tpu.memory_space<vmem>>, vector<200x128xf32>
      tpu.vector_store %arg12[%swap3A_604, %swap3A_605], %add3A_558 {strides = array<i32>} : memref<3200x128xf32, #tpu.memory_space<vmem>>, vector<200x128xf32>,
    } else {
    }
    %iota3A = tpu.iota {dimensions = array<i32: 0>} : vector<168x128xi32>
    %get3A = arith.constant 0 : index
    %get3A_2 = arith.constant 0 : index
    %get3A_3 = vector.load %arg11[%get3A, %get3A_2] : memref<168x128xf32, #tpu.memory_space<vmem>>, vector<168x128xf32>
    %convert_element_type3A_4 = arith.truncf %get3A_3 : vector<168x128xf32> to vector<168x128xbf16>
    %get3A_5 = arith.constant 0 : index
    %get3A_6 = arith.constant 0 : index
    %get3A_7 = arith.constant 0 : index
    %get3A_8 = vector.load %arg1[%get3A_5, %get3A_6, %get3A_7] : memref<1x25x128xi32, #tpu.memory_space<vmem>>, vector<1x25x128xi32>
    %slice3A = vector.extract_strided_slice %get3A_8 {offsets = [0, 0, 0], sizes = [1, 1, 128], strides = [1, 1, 1]} : vector<1x25x128xi32> to vector<1x1x128xi32>
    %squeeze3A = vector.shape_cast %slice3A : vector<1x1x128xi32> to vector<1x128xi32>
    %eq3A_9 = vector.broadcast %squeeze3A : vector<1x128xi32> to vector<168x128xi32>
    %eq3A_10 = arith.cmpi eq, %iota3A, %eq3A_9 : vector<168x128xi32>
    %convert_element_type3A_11 = arith.extui %eq3A_10 : vector<168x128xi1> to vector<168x128xi32>
    %convert_element_type3A_12 = arith.sitofp %convert_element_type3A_11 : vector<168x128xi32> to vector<168x128xf32>
    %convert_element_type3A_13 = arith.truncf %convert_element_type3A_12 : vector<168x128xf32> to vector<168x128xbf16>
    %dot_general3A = arith.constant dense<0.000000e+00> : vector<128x128xf32>
    %dot_general3A_14 = tpu.matmul %convert_element_type3A_13, %convert_element_type3A_4, %dot_general3A {dimension_numbers = #tpu.dot_dimension_numbers<[0], [0], [1], [1], [0, 1, 1, 1], [], []>, transpose_lhs_hint = false} : vector<168x128xbf16>, vector<168x128xbf16>, vector<128x128xf32> -> vector<128x128xf32>
    %get3A_15 = arith.constant 0 : index
    %get3A_16 = arith.constant 0 : index
    %get3A_17 = vector.load %arg12[%get3A_15, %get3A_16] : memref<3200x128xf32, #tpu.memory_space<vmem>>, vector<128x128xf32>
    %add3A = arith.addf %dot_general3A_14, %get3A_17 : vector<128x128xf32>
    %swap3A = arith.constant 0 : index
    %swap3A_18 = arith.constant 0 : index
    %swap3A_19 = vector.load %arg10[%swap3A, %swap3A_18] : memref<3200x128xf32, #tpu.memory_space<vmem>>, vector<128x128xf32>
    tpu.vector_store %arg10[%swap3A, %swap3A_18], %add3A {strides = array<i32>} : memref<3200x128xf32, #tpu.memory_space<vmem>>, vector<128x128xf32>,
    %slice3A_20 = vector.extract_strided_slice %get3A_8 {offsets = [0, 1, 0], sizes = [1, 1, 128], strides = [1, 1, 1]} : vector<1x25x128xi32> to vector<1x1x128xi32>
    %squeeze3A_21 = vector.shape_cast %slice3A_20 : vector<1x1x128xi32> to vector<1x128xi32>
    %eq3A_22 = vector.broadcast %squeeze3A_21 : vector<1x128xi32> to vector<168x128xi32>
    %eq3A_23 = arith.cmpi eq, %iota3A, %eq3A_22 : vector<168x128xi32>
    %convert_element_type3A_24 = arith.extui %eq3A_23 : vector<168x128xi1> to vector<168x128xi32>
    %convert_element_type3A_25 = arith.sitofp %convert_element_type3A_24 : vector<168x128xi32> to vector<168x128xf32>
    %convert_element_type3A_26 = arith.truncf %convert_element_type3A_25 : vector<168x128xf32> to vector<168x128xbf16>
    %dot_general3A_27 = arith.constant dense<0.000000e+00> : vector<128x128xf32>
    %dot_general3A_28 = tpu.matmul %convert_element_type3A_26, %convert_element_type3A_4, %dot_general3A_27 {dimension_numbers = #tpu.dot_dimension_numbers<[0], [0], [1], [1], [0, 1, 1, 1], [], []>, transpose_lhs_hint = false} : vector<168x128xbf16>, vector<168x128xbf16>, vector<128x128xf32> -> vector<128x128xf32>
    %get3A_29 = arith.constant 128 : index
    %get3A_30 = arith.constant 0 : index
    %get3A_31 = vector.load %arg12[%get3A_29, %get3A_30] : memref<3200x128xf32, #tpu.memory_space<vmem>>, vector<128x128xf32>
    %add3A_32 = arith.addf %dot_general3A_28, %get3A_31 : vector<128x128xf32>
    %swap3A_33 = arith.constant 128 : index
    %swap3A_34 = arith.constant 0 : index
    %swap3A_35 = vector.load %arg10[%swap3A_33, %swap3A_34] : memref<3200x128xf32, #tpu.memory_space<vmem>>, vector<128x128xf32>
    tpu.vector_store %arg10[%swap3A_33, %swap3A_34], %add3A_32 {strides = array<i32>} : memref<3200x128xf32, #tpu.memory_space<vmem>>, vector<128x128xf32>,
    %slice3A_36 = vector.extract_strided_slice %get3A_8 {offsets = [0, 2, 0], sizes = [1, 1, 128], strides = [1, 1, 1]} : vector<1x25x128xi32> to vector<1x1x128xi32>
    %squeeze3A_37 = vector.shape_cast %slice3A_36 : vector<1x1x128xi32> to vector<1x128xi32>
    %eq3A_38 = vector.broadcast %squeeze3A_37 : vector<1x128xi32> to vector<168x128xi32>
    %eq3A_39 = arith.cmpi eq, %iota3A, %eq3A_38 : vector<168x128xi32>
    %convert_element_type3A_40 = arith.extui %eq3A_39 : vector<168x128xi1> to vector<168x128xi32>
    %convert_element_type3A_41 = arith.sitofp %convert_element_type3A_40 : vector<168x128xi32> to vector<168x128xf32>
    %convert_element_type3A_42 = arith.truncf %convert_element_type3A_41 : vector<168x128xf32> to vector<168x128xbf16>
    %dot_general3A_43 = arith.constant dense<0.000000e+00> : vector<128x128xf32>
    %dot_general3A_44 = tpu.matmul %convert_element_type3A_42, %convert_element_type3A_4, %dot_general3A_43 {dimension_numbers = #tpu.dot_dimension_numbers<[0], [0], [1], [1], [0, 1, 1, 1], [], []>, transpose_lhs_hint = false} : vector<168x128xbf16>, vector<168x128xbf16>, vector<128x128xf32> -> vector<128x128xf32>
    %get3A_45 = arith.constant 256 : index
    %get3A_46 = arith.constant 0 : index
    %get3A_47 = vector.load %arg12[%get3A_45, %get3A_46] : memref<3200x128xf32, #tpu.memory_space<vmem>>, vector<128x128xf32>
    %add3A_48 = arith.addf %dot_general3A_44, %get3A_47 : vector<128x128xf32>
    %swap3A_49 = arith.constant 256 : index
    %swap3A_50 = arith.constant 0 : index
    %swap3A_51 = vector.load %arg10[%swap3A_49, %swap3A_50] : memref<3200x128xf32, #tpu.memory_space<vmem>>, vector<128x128xf32>
    tpu.vector_store %arg10[%swap3A_49, %swap3A_50], %add3A_48 {strides = array<i32>} : memref<3200x128xf32, #tpu.memory_space<vmem>>, vector<128x128xf32>,
    %slice3A_52 = vector.extract_strided_slice %get3A_8 {offsets = [0, 3, 0], sizes = [1, 1, 128], strides = [1, 1, 1]} : vector<1x25x128xi32> to vector<1x1x128xi32>
    %squeeze3A_53 = vector.shape_cast %slice3A_52 : vector<1x1x128xi32> to vector<1x128xi32>
    %eq3A_54 = vector.broadcast %squeeze3A_53 : vector<1x128xi32> to vector<168x128xi32>
    %eq3A_55 = arith.cmpi eq, %iota3A, %eq3A_54 : vector<168x128xi32>
    %convert_element_type3A_56 = arith.extui %eq3A_55 : vector<168x128xi1> to vector<168x128xi32>
    %convert_element_type3A_57 = arith.sitofp %convert_element_type3A_56 : vector<168x128xi32> to vector<168x128xf32>
    %convert_element_type3A_58 = arith.truncf %convert_element_type3A_57 : vector<168x128xf32> to vector<168x128xbf16>
    %dot_general3A_59 = arith.constant dense<0.000000e+00> : vector<128x128xf32>
    %dot_general3A_60 = tpu.matmul %convert_element_type3A_58, %convert_element_type3A_4, %dot_general3A_59 {dimension_numbers = #tpu.dot_dimension_numbers<[0], [0], [1], [1], [0, 1, 1, 1], [], []>, transpose_lhs_hint = false} : vector<168x128xbf16>, vector<168x128xbf16>, vector<128x128xf32> -> vector<128x128xf32>
    %get3A_61 = arith.constant 384 : index
    %get3A_62 = arith.constant 0 : index
    %get3A_63 = vector.load %arg12[%get3A_61, %get3A_62] : memref<3200x128xf32, #tpu.memory_space<vmem>>, vector<128x128xf32>
    %add3A_64 = arith.addf %dot_general3A_60, %get3A_63 : vector<128x128xf32>
    %swap3A_65 = arith.constant 384 : index
    %swap3A_66 = arith.constant 0 : index
    %swap3A_67 = vector.load %arg10[%swap3A_65, %swap3A_66] : memref<3200x128xf32, #tpu.memory_space<vmem>>, vector<128x128xf32>
    tpu.vector_store %arg10[%swap3A_65, %swap3A_66], %add3A_64 {strides = array<i32>} : memref<3200x128xf32, #tpu.memory_space<vmem>>, vector<128x128xf32>,
    %slice3A_68 = vector.extract_strided_slice %get3A_8 {offsets = [0, 4, 0], sizes = [1, 1, 128], strides = [1, 1, 1]} : vector<1x25x128xi32> to vector<1x1x128xi32>
    %squeeze3A_69 = vector.shape_cast %slice3A_68 : vector<1x1x128xi32> to vector<1x128xi32>
    %eq3A_70 = vector.broadcast %squeeze3A_69 : vector<1x128xi32> to vector<168x128xi32>
    %eq3A_71 = arith.cmpi eq, %iota3A, %eq3A_70 : vector<168x128xi32>
    %convert_element_type3A_72 = arith.extui %eq3A_71 : vector<168x128xi1> to vector<168x128xi32>
    %convert_element_type3A_73 = arith.sitofp %convert_element_type3A_72 : vector<168x128xi32> to vector<168x128xf32>
    %convert_element_type3A_74 = arith.truncf %convert_element_type3A_73 : vector<168x128xf32> to vector<168x128xbf16>
    %dot_general3A_75 = arith.constant dense<0.000000e+00> : vector<128x128xf32>
    %dot_general3A_76 = tpu.matmul %convert_element_type3A_74, %convert_element_type3A_4, %dot_general3A_75 {dimension_numbers = #tpu.dot_dimension_numbers<[0], [0], [1], [1], [0, 1, 1, 1], [], []>, transpose_lhs_hint = false} : vector<168x128xbf16>, vector<168x128xbf16>, vector<128x128xf32> -> vector<128x128xf32>
    %get3A_77 = arith.constant 512 : index
    %get3A_78 = arith.constant 0 : index
    %get3A_79 = vector.load %arg12[%get3A_77, %get3A_78] : memref<3200x128xf32, #tpu.memory_space<vmem>>, vector<128x128xf32>
    %add3A_80 = arith.addf %dot_general3A_76, %get3A_79 : vector<128x128xf32>
    %swap3A_81 = arith.constant 512 : index
    %swap3A_82 = arith.constant 0 : index
    %swap3A_83 = vector.load %arg10[%swap3A_81, %swap3A_82] : memref<3200x128xf32, #tpu.memory_space<vmem>>, vector<128x128xf32>
    tpu.vector_store %arg10[%swap3A_81, %swap3A_82], %add3A_80 {strides = array<i32>} : memref<3200x128xf32, #tpu.memory_space<vmem>>, vector<128x128xf32>,
    %slice3A_84 = vector.extract_strided_slice %get3A_8 {offsets = [0, 5, 0], sizes = [1, 1, 128], strides = [1, 1, 1]} : vector<1x25x128xi32> to vector<1x1x128xi32>
    %squeeze3A_85 = vector.shape_cast %slice3A_84 : vector<1x1x128xi32> to vector<1x128xi32>
    %eq3A_86 = vector.broadcast %squeeze3A_85 : vector<1x128xi32> to vector<168x128xi32>
    %eq3A_87 = arith.cmpi eq, %iota3A, %eq3A_86 : vector<168x128xi32>
    %convert_element_type3A_88 = arith.extui %eq3A_87 : vector<168x128xi1> to vector<168x128xi32>
    %convert_element_type3A_89 = arith.sitofp %convert_element_type3A_88 : vector<168x128xi32> to vector<168x128xf32>
    %convert_element_type3A_90 = arith.truncf %convert_element_type3A_89 : vector<168x128xf32> to vector<168x128xbf16>
    %dot_general3A_91 = arith.constant dense<0.000000e+00> : vector<128x128xf32>
    %dot_general3A_92 = tpu.matmul %convert_element_type3A_90, %convert_element_type3A_4, %dot_general3A_91 {dimension_numbers = #tpu.dot_dimension_numbers<[0], [0], [1], [1], [0, 1, 1, 1], [], []>, transpose_lhs_hint = false} : vector<168x128xbf16>, vector<168x128xbf16>, vector<128x128xf32> -> vector<128x128xf32>
    %get3A_93 = arith.constant 640 : index
    %get3A_94 = arith.constant 0 : index
    %get3A_95 = vector.load %arg12[%get3A_93, %get3A_94] : memref<3200x128xf32, #tpu.memory_space<vmem>>, vector<128x128xf32>
    %add3A_96 = arith.addf %dot_general3A_92, %get3A_95 : vector<128x128xf32>
    %swap3A_97 = arith.constant 640 : index
    %swap3A_98 = arith.constant 0 : index
    %swap3A_99 = vector.load %arg10[%swap3A_97, %swap3A_98] : memref<3200x128xf32, #tpu.memory_space<vmem>>, vector<128x128xf32>
    tpu.vector_store %arg10[%swap3A_97, %swap3A_98], %add3A_96 {strides = array<i32>} : memref<3200x128xf32, #tpu.memory_space<vmem>>, vector<128x128xf32>,
    %slice3A_100 = vector.extract_strided_slice %get3A_8 {offsets = [0, 6, 0], sizes = [1, 1, 128], strides = [1, 1, 1]} : vector<1x25x128xi32> to vector<1x1x128xi32>
    %squeeze3A_101 = vector.shape_cast %slice3A_100 : vector<1x1x128xi32> to vector<1x128xi32>
    %eq3A_102 = vector.broadcast %squeeze3A_101 : vector<1x128xi32> to vector<168x128xi32>
    %eq3A_103 = arith.cmpi eq, %iota3A, %eq3A_102 : vector<168x128xi32>
    %convert_element_type3A_104 = arith.extui %eq3A_103 : vector<168x128xi1> to vector<168x128xi32>
    %convert_element_type3A_105 = arith.sitofp %convert_element_type3A_104 : vector<168x128xi32> to vector<168x128xf32>
    %convert_element_type3A_106 = arith.truncf %convert_element_type3A_105 : vector<168x128xf32> to vector<168x128xbf16>
    %dot_general3A_107 = arith.constant dense<0.000000e+00> : vector<128x128xf32>
    %dot_general3A_108 = tpu.matmul %convert_element_type3A_106, %convert_element_type3A_4, %dot_general3A_107 {dimension_numbers = #tpu.dot_dimension_numbers<[0], [0], [1], [1], [0, 1, 1, 1], [], []>, transpose_lhs_hint = false} : vector<168x128xbf16>, vector<168x128xbf16>, vector<128x128xf32> -> vector<128x128xf32>
    %get3A_109 = arith.constant 768 : index
    %get3A_110 = arith.constant 0 : index
    %get3A_111 = vector.load %arg12[%get3A_109, %get3A_110] : memref<3200x128xf32, #tpu.memory_space<vmem>>, vector<128x128xf32>
    %add3A_112 = arith.addf %dot_general3A_108, %get3A_111 : vector<128x128xf32>
    %swap3A_113 = arith.constant 768 : index
    %swap3A_114 = arith.constant 0 : index
    %swap3A_115 = vector.load %arg10[%swap3A_113, %swap3A_114] : memref<3200x128xf32, #tpu.memory_space<vmem>>, vector<128x128xf32>
    tpu.vector_store %arg10[%swap3A_113, %swap3A_114], %add3A_112 {strides = array<i32>} : memref<3200x128xf32, #tpu.memory_space<vmem>>, vector<128x128xf32>,
    %slice3A_116 = vector.extract_strided_slice %get3A_8 {offsets = [0, 7, 0], sizes = [1, 1, 128], strides = [1, 1, 1]} : vector<1x25x128xi32> to vector<1x1x128xi32>
    %squeeze3A_117 = vector.shape_cast %slice3A_116 : vector<1x1x128xi32> to vector<1x128xi32>
    %eq3A_118 = vector.broadcast %squeeze3A_117 : vector<1x128xi32> to vector<168x128xi32>
    %eq3A_119 = arith.cmpi eq, %iota3A, %eq3A_118 : vector<168x128xi32>
    %convert_element_type3A_120 = arith.extui %eq3A_119 : vector<168x128xi1> to vector<168x128xi32>
    %convert_element_type3A_121 = arith.sitofp %convert_element_type3A_120 : vector<168x128xi32> to vector<168x128xf32>
    %convert_element_type3A_122 = arith.truncf %convert_element_type3A_121 : vector<168x128xf32> to vector<168x128xbf16>
    %dot_general3A_123 = arith.constant dense<0.000000e+00> : vector<128x128xf32>
    %dot_general3A_124 = tpu.matmul %convert_element_type3A_122, %convert_element_type3A_4, %dot_general3A_123 {dimension_numbers = #tpu.dot_dimension_numbers<[0], [0], [1], [1], [0, 1, 1, 1], [], []>, transpose_lhs_hint = false} : vector<168x128xbf16>, vector<168x128xbf16>, vector<128x128xf32> -> vector<128x128xf32>
    %get3A_125 = arith.constant 896 : index
    %get3A_126 = arith.constant 0 : index
    %get3A_127 = vector.load %arg12[%get3A_125, %get3A_126] : memref<3200x128xf32, #tpu.memory_space<vmem>>, vector<128x128xf32>
    %add3A_128 = arith.addf %dot_general3A_124, %get3A_127 : vector<128x128xf32>
    %swap3A_129 = arith.constant 896 : index
    %swap3A_130 = arith.constant 0 : index
    %swap3A_131 = vector.load %arg10[%swap3A_129, %swap3A_130] : memref<3200x128xf32, #tpu.memory_space<vmem>>, vector<128x128xf32>
    tpu.vector_store %arg10[%swap3A_129, %swap3A_130], %add3A_128 {strides = array<i32>} : memref<3200x128xf32, #tpu.memory_space<vmem>>, vector<128x128xf32>,
    %slice3A_132 = vector.extract_strided_slice %get3A_8 {offsets = [0, 8, 0], sizes = [1, 1, 128], strides = [1, 1, 1]} : vector<1x25x128xi32> to vector<1x1x128xi32>
    %squeeze3A_133 = vector.shape_cast %slice3A_132 : vector<1x1x128xi32> to vector<1x128xi32>
    %eq3A_134 = vector.broadcast %squeeze3A_133 : vector<1x128xi32> to vector<168x128xi32>
    %eq3A_135 = arith.cmpi eq, %iota3A, %eq3A_134 : vector<168x128xi32>
    %convert_element_type3A_136 = arith.extui %eq3A_135 : vector<168x128xi1> to vector<168x128xi32>
    %convert_element_type3A_137 = arith.sitofp %convert_element_type3A_136 : vector<168x128xi32> to vector<168x128xf32>
    %convert_element_type3A_138 = arith.truncf %convert_element_type3A_137 : vector<168x128xf32> to vector<168x128xbf16>
    %dot_general3A_139 = arith.constant dense<0.000000e+00> : vector<128x128xf32>
    %dot_general3A_140 = tpu.matmul %convert_element_type3A_138, %convert_element_type3A_4, %dot_general3A_139 {dimension_numbers = #tpu.dot_dimension_numbers<[0], [0], [1], [1], [0, 1, 1, 1], [], []>, transpose_lhs_hint = false} : vector<168x128xbf16>, vector<168x128xbf16>, vector<128x128xf32> -> vector<128x128xf32>
    %get3A_141 = arith.constant 1024 : index
    %get3A_142 = arith.constant 0 : index
    %get3A_143 = vector.load %arg12[%get3A_141, %get3A_142] : memref<3200x128xf32, #tpu.memory_space<vmem>>, vector<128x128xf32>
    %add3A_144 = arith.addf %dot_general3A_140, %get3A_143 : vector<128x128xf32>
    %swap3A_145 = arith.constant 1024 : index
    %swap3A_146 = arith.constant 0 : index
    %swap3A_147 = vector.load %arg10[%swap3A_145, %swap3A_146] : memref<3200x128xf32, #tpu.memory_space<vmem>>, vector<128x128xf32>
    tpu.vector_store %arg10[%swap3A_145, %swap3A_146], %add3A_144 {strides = array<i32>} : memref<3200x128xf32, #tpu.memory_space<vmem>>, vector<128x128xf32>,
    %slice3A_148 = vector.extract_strided_slice %get3A_8 {offsets = [0, 9, 0], sizes = [1, 1, 128], strides = [1, 1, 1]} : vector<1x25x128xi32> to vector<1x1x128xi32>
    %squeeze3A_149 = vector.shape_cast %slice3A_148 : vector<1x1x128xi32> to vector<1x128xi32>
    %eq3A_150 = vector.broadcast %squeeze3A_149 : vector<1x128xi32> to vector<168x128xi32>
    %eq3A_151 = arith.cmpi eq, %iota3A, %eq3A_150 : vector<168x128xi32>
    %convert_element_type3A_152 = arith.extui %eq3A_151 : vector<168x128xi1> to vector<168x128xi32>
    %convert_element_type3A_153 = arith.sitofp %convert_element_type3A_152 : vector<168x128xi32> to vector<168x128xf32>
    %convert_element_type3A_154 = arith.truncf %convert_element_type3A_153 : vector<168x128xf32> to vector<168x128xbf16>
    %dot_general3A_155 = arith.constant dense<0.000000e+00> : vector<128x128xf32>
    %dot_general3A_156 = tpu.matmul %convert_element_type3A_154, %convert_element_type3A_4, %dot_general3A_155 {dimension_numbers = #tpu.dot_dimension_numbers<[0], [0], [1], [1], [0, 1, 1, 1], [], []>, transpose_lhs_hint = false} : vector<168x128xbf16>, vector<168x128xbf16>, vector<128x128xf32> -> vector<128x128xf32>
    %get3A_157 = arith.constant 1152 : index
    %get3A_158 = arith.constant 0 : index
    %get3A_159 = vector.load %arg12[%get3A_157, %get3A_158] : memref<3200x128xf32, #tpu.memory_space<vmem>>, vector<128x128xf32>
    %add3A_160 = arith.addf %dot_general3A_156, %get3A_159 : vector<128x128xf32>
    %swap3A_161 = arith.constant 1152 : index
    %swap3A_162 = arith.constant 0 : index
    %swap3A_163 = vector.load %arg10[%swap3A_161, %swap3A_162] : memref<3200x128xf32, #tpu.memory_space<vmem>>, vector<128x128xf32>
    tpu.vector_store %arg10[%swap3A_161, %swap3A_162], %add3A_160 {strides = array<i32>} : memref<3200x128xf32, #tpu.memory_space<vmem>>, vector<128x128xf32>,
    %slice3A_164 = vector.extract_strided_slice %get3A_8 {offsets = [0, 10, 0], sizes = [1, 1, 128], strides = [1, 1, 1]} : vector<1x25x128xi32> to vector<1x1x128xi32>
    %squeeze3A_165 = vector.shape_cast %slice3A_164 : vector<1x1x128xi32> to vector<1x128xi32>
    %eq3A_166 = vector.broadcast %squeeze3A_165 : vector<1x128xi32> to vector<168x128xi32>
    %eq3A_167 = arith.cmpi eq, %iota3A, %eq3A_166 : vector<168x128xi32>
    %convert_element_type3A_168 = arith.extui %eq3A_167 : vector<168x128xi1> to vector<168x128xi32>
    %convert_element_type3A_169 = arith.sitofp %convert_element_type3A_168 : vector<168x128xi32> to vector<168x128xf32>
    %convert_element_type3A_170 = arith.truncf %convert_element_type3A_169 : vector<168x128xf32> to vector<168x128xbf16>
    %dot_general3A_171 = arith.constant dense<0.000000e+00> : vector<128x128xf32>
    %dot_general3A_172 = tpu.matmul %convert_element_type3A_170, %convert_element_type3A_4, %dot_general3A_171 {dimension_numbers = #tpu.dot_dimension_numbers<[0], [0], [1], [1], [0, 1, 1, 1], [], []>, transpose_lhs_hint = false} : vector<168x128xbf16>, vector<168x128xbf16>, vector<128x128xf32> -> vector<128x128xf32>
    %get3A_173 = arith.constant 1280 : index
    %get3A_174 = arith.constant 0 : index
    %get3A_175 = vector.load %arg12[%get3A_173, %get3A_174] : memref<3200x128xf32, #tpu.memory_space<vmem>>, vector<128x128xf32>
    %add3A_176 = arith.addf %dot_general3A_172, %get3A_175 : vector<128x128xf32>
    %swap3A_177 = arith.constant 1280 : index
    %swap3A_178 = arith.constant 0 : index
    %swap3A_179 = vector.load %arg10[%swap3A_177, %swap3A_178] : memref<3200x128xf32, #tpu.memory_space<vmem>>, vector<128x128xf32>
    tpu.vector_store %arg10[%swap3A_177, %swap3A_178], %add3A_176 {strides = array<i32>} : memref<3200x128xf32, #tpu.memory_space<vmem>>, vector<128x128xf32>,
    %slice3A_180 = vector.extract_strided_slice %get3A_8 {offsets = [0, 11, 0], sizes = [1, 1, 128], strides = [1, 1, 1]} : vector<1x25x128xi32> to vector<1x1x128xi32>
    %squeeze3A_181 = vector.shape_cast %slice3A_180 : vector<1x1x128xi32> to vector<1x128xi32>
    %eq3A_182 = vector.broadcast %squeeze3A_181 : vector<1x128xi32> to vector<168x128xi32>
    %eq3A_183 = arith.cmpi eq, %iota3A, %eq3A_182 : vector<168x128xi32>
    %convert_element_type3A_184 = arith.extui %eq3A_183 : vector<168x128xi1> to vector<168x128xi32>
    %convert_element_type3A_185 = arith.sitofp %convert_element_type3A_184 : vector<168x128xi32> to vector<168x128xf32>
    %convert_element_type3A_186 = arith.truncf %convert_element_type3A_185 : vector<168x128xf32> to vector<168x128xbf16>
    %dot_general3A_187 = arith.constant dense<0.000000e+00> : vector<128x128xf32>
    %dot_general3A_188 = tpu.matmul %convert_element_type3A_186, %convert_element_type3A_4, %dot_general3A_187 {dimension_numbers = #tpu.dot_dimension_numbers<[0], [0], [1], [1], [0, 1, 1, 1], [], []>, transpose_lhs_hint = false} : vector<168x128xbf16>, vector<168x128xbf16>, vector<128x128xf32> -> vector<128x128xf32>
    %get3A_189 = arith.constant 1408 : index
    %get3A_190 = arith.constant 0 : index
    %get3A_191 = vector.load %arg12[%get3A_189, %get3A_190] : memref<3200x128xf32, #tpu.memory_space<vmem>>, vector<128x128xf32>
    %add3A_192 = arith.addf %dot_general3A_188, %get3A_191 : vector<128x128xf32>
    %swap3A_193 = arith.constant 1408 : index
    %swap3A_194 = arith.constant 0 : index
    %swap3A_195 = vector.load %arg10[%swap3A_193, %swap3A_194] : memref<3200x128xf32, #tpu.memory_space<vmem>>, vector<128x128xf32>
    tpu.vector_store %arg10[%swap3A_193, %swap3A_194], %add3A_192 {strides = array<i32>} : memref<3200x128xf32, #tpu.memory_space<vmem>>, vector<128x128xf32>,
    %slice3A_196 = vector.extract_strided_slice %get3A_8 {offsets = [0, 12, 0], sizes = [1, 1, 128], strides = [1, 1, 1]} : vector<1x25x128xi32> to vector<1x1x128xi32>
    %squeeze3A_197 = vector.shape_cast %slice3A_196 : vector<1x1x128xi32> to vector<1x128xi32>
    %eq3A_198 = vector.broadcast %squeeze3A_197 : vector<1x128xi32> to vector<168x128xi32>
    %eq3A_199 = arith.cmpi eq, %iota3A, %eq3A_198 : vector<168x128xi32>
    %convert_element_type3A_200 = arith.extui %eq3A_199 : vector<168x128xi1> to vector<168x128xi32>
    %convert_element_type3A_201 = arith.sitofp %convert_element_type3A_200 : vector<168x128xi32> to vector<168x128xf32>
    %convert_element_type3A_202 = arith.truncf %convert_element_type3A_201 : vector<168x128xf32> to vector<168x128xbf16>
    %dot_general3A_203 = arith.constant dense<0.000000e+00> : vector<128x128xf32>
    %dot_general3A_204 = tpu.matmul %convert_element_type3A_202, %convert_element_type3A_4, %dot_general3A_203 {dimension_numbers = #tpu.dot_dimension_numbers<[0], [0], [1], [1], [0, 1, 1, 1], [], []>, transpose_lhs_hint = false} : vector<168x128xbf16>, vector<168x128xbf16>, vector<128x128xf32> -> vector<128x128xf32>
    %get3A_205 = arith.constant 1536 : index
    %get3A_206 = arith.constant 0 : index
    %get3A_207 = vector.load %arg12[%get3A_205, %get3A_206] : memref<3200x128xf32, #tpu.memory_space<vmem>>, vector<128x128xf32>
    %add3A_208 = arith.addf %dot_general3A_204, %get3A_207 : vector<128x128xf32>
    %swap3A_209 = arith.constant 1536 : index
    %swap3A_210 = arith.constant 0 : index
    %swap3A_211 = vector.load %arg10[%swap3A_209, %swap3A_210] : memref<3200x128xf32, #tpu.memory_space<vmem>>, vector<128x128xf32>
    tpu.vector_store %arg10[%swap3A_209, %swap3A_210], %add3A_208 {strides = array<i32>} : memref<3200x128xf32, #tpu.memory_space<vmem>>, vector<128x128xf32>,
    %slice3A_212 = vector.extract_strided_slice %get3A_8 {offsets = [0, 13, 0], sizes = [1, 1, 128], strides = [1, 1, 1]} : vector<1x25x128xi32> to vector<1x1x128xi32>
    %squeeze3A_213 = vector.shape_cast %slice3A_212 : vector<1x1x128xi32> to vector<1x128xi32>
    %eq3A_214 = vector.broadcast %squeeze3A_213 : vector<1x128xi32> to vector<168x128xi32>
    %eq3A_215 = arith.cmpi eq, %iota3A, %eq3A_214 : vector<168x128xi32>
    %convert_element_type3A_216 = arith.extui %eq3A_215 : vector<168x128xi1> to vector<168x128xi32>
    %convert_element_type3A_217 = arith.sitofp %convert_element_type3A_216 : vector<168x128xi32> to vector<168x128xf32>
    %convert_element_type3A_218 = arith.truncf %convert_element_type3A_217 : vector<168x128xf32> to vector<168x128xbf16>
    %dot_general3A_219 = arith.constant dense<0.000000e+00> : vector<128x128xf32>
    %dot_general3A_220 = tpu.matmul %convert_element_type3A_218, %convert_element_type3A_4, %dot_general3A_219 {dimension_numbers = #tpu.dot_dimension_numbers<[0], [0], [1], [1], [0, 1, 1, 1], [], []>, transpose_lhs_hint = false} : vector<168x128xbf16>, vector<168x128xbf16>, vector<128x128xf32> -> vector<128x128xf32>
    %get3A_221 = arith.constant 1664 : index
    %get3A_222 = arith.constant 0 : index
    %get3A_223 = vector.load %arg12[%get3A_221, %get3A_222] : memref<3200x128xf32, #tpu.memory_space<vmem>>, vector<128x128xf32>
    %add3A_224 = arith.addf %dot_general3A_220, %get3A_223 : vector<128x128xf32>
    %swap3A_225 = arith.constant 1664 : index
    %swap3A_226 = arith.constant 0 : index
    %swap3A_227 = vector.load %arg10[%swap3A_225, %swap3A_226] : memref<3200x128xf32, #tpu.memory_space<vmem>>, vector<128x128xf32>
    tpu.vector_store %arg10[%swap3A_225, %swap3A_226], %add3A_224 {strides = array<i32>} : memref<3200x128xf32, #tpu.memory_space<vmem>>, vector<128x128xf32>,
    %slice3A_228 = vector.extract_strided_slice %get3A_8 {offsets = [0, 14, 0], sizes = [1, 1, 128], strides = [1, 1, 1]} : vector<1x25x128xi32> to vector<1x1x128xi32>
    %squeeze3A_229 = vector.shape_cast %slice3A_228 : vector<1x1x128xi32> to vector<1x128xi32>
    %eq3A_230 = vector.broadcast %squeeze3A_229 : vector<1x128xi32> to vector<168x128xi32>
    %eq3A_231 = arith.cmpi eq, %iota3A, %eq3A_230 : vector<168x128xi32>
    %convert_element_type3A_232 = arith.extui %eq3A_231 : vector<168x128xi1> to vector<168x128xi32>
    %convert_element_type3A_233 = arith.sitofp %convert_element_type3A_232 : vector<168x128xi32> to vector<168x128xf32>
    %convert_element_type3A_234 = arith.truncf %convert_element_type3A_233 : vector<168x128xf32> to vector<168x128xbf16>
    %dot_general3A_235 = arith.constant dense<0.000000e+00> : vector<128x128xf32>
    %dot_general3A_236 = tpu.matmul %convert_element_type3A_234, %convert_element_type3A_4, %dot_general3A_235 {dimension_numbers = #tpu.dot_dimension_numbers<[0], [0], [1], [1], [0, 1, 1, 1], [], []>, transpose_lhs_hint = false} : vector<168x128xbf16>, vector<168x128xbf16>, vector<128x128xf32> -> vector<128x128xf32>
    %get3A_237 = arith.constant 1792 : index
    %get3A_238 = arith.constant 0 : index
    %get3A_239 = vector.load %arg12[%get3A_237, %get3A_238] : memref<3200x128xf32, #tpu.memory_space<vmem>>, vector<128x128xf32>
    %add3A_240 = arith.addf %dot_general3A_236, %get3A_239 : vector<128x128xf32>
    %swap3A_241 = arith.constant 1792 : index
    %swap3A_242 = arith.constant 0 : index
    %swap3A_243 = vector.load %arg10[%swap3A_241, %swap3A_242] : memref<3200x128xf32, #tpu.memory_space<vmem>>, vector<128x128xf32>
    tpu.vector_store %arg10[%swap3A_241, %swap3A_242], %add3A_240 {strides = array<i32>} : memref<3200x128xf32, #tpu.memory_space<vmem>>, vector<128x128xf32>,
    %slice3A_244 = vector.extract_strided_slice %get3A_8 {offsets = [0, 15, 0], sizes = [1, 1, 128], strides = [1, 1, 1]} : vector<1x25x128xi32> to vector<1x1x128xi32>
    %squeeze3A_245 = vector.shape_cast %slice3A_244 : vector<1x1x128xi32> to vector<1x128xi32>
    %eq3A_246 = vector.broadcast %squeeze3A_245 : vector<1x128xi32> to vector<168x128xi32>
    %eq3A_247 = arith.cmpi eq, %iota3A, %eq3A_246 : vector<168x128xi32>
    %convert_element_type3A_248 = arith.extui %eq3A_247 : vector<168x128xi1> to vector<168x128xi32>
    %convert_element_type3A_249 = arith.sitofp %convert_element_type3A_248 : vector<168x128xi32> to vector<168x128xf32>
    %convert_element_type3A_250 = arith.truncf %convert_element_type3A_249 : vector<168x128xf32> to vector<168x128xbf16>
    %dot_general3A_251 = arith.constant dense<0.000000e+00> : vector<128x128xf32>
    %dot_general3A_252 = tpu.matmul %convert_element_type3A_250, %convert_element_type3A_4, %dot_general3A_251 {dimension_numbers = #tpu.dot_dimension_numbers<[0], [0], [1], [1], [0, 1, 1, 1], [], []>, transpose_lhs_hint = false} : vector<168x128xbf16>, vector<168x128xbf16>, vector<128x128xf32> -> vector<128x128xf32>
    %get3A_253 = arith.constant 1920 : index
    %get3A_254 = arith.constant 0 : index
    %get3A_255 = vector.load %arg12[%get3A_253, %get3A_254] : memref<3200x128xf32, #tpu.memory_space<vmem>>, vector<128x128xf32>
    %add3A_256 = arith.addf %dot_general3A_252, %get3A_255 : vector<128x128xf32>
    %swap3A_257 = arith.constant 1920 : index
    %swap3A_258 = arith.constant 0 : index
    %swap3A_259 = vector.load %arg10[%swap3A_257, %swap3A_258] : memref<3200x128xf32, #tpu.memory_space<vmem>>, vector<128x128xf32>
    tpu.vector_store %arg10[%swap3A_257, %swap3A_258], %add3A_256 {strides = array<i32>} : memref<3200x128xf32, #tpu.memory_space<vmem>>, vector<128x128xf32>,
    %slice3A_260 = vector.extract_strided_slice %get3A_8 {offsets = [0, 16, 0], sizes = [1, 1, 128], strides = [1, 1, 1]} : vector<1x25x128xi32> to vector<1x1x128xi32>
    %squeeze3A_261 = vector.shape_cast %slice3A_260 : vector<1x1x128xi32> to vector<1x128xi32>
    %eq3A_262 = vector.broadcast %squeeze3A_261 : vector<1x128xi32> to vector<168x128xi32>
    %eq3A_263 = arith.cmpi eq, %iota3A, %eq3A_262 : vector<168x128xi32>
    %convert_element_type3A_264 = arith.extui %eq3A_263 : vector<168x128xi1> to vector<168x128xi32>
    %convert_element_type3A_265 = arith.sitofp %convert_element_type3A_264 : vector<168x128xi32> to vector<168x128xf32>
    %convert_element_type3A_266 = arith.truncf %convert_element_type3A_265 : vector<168x128xf32> to vector<168x128xbf16>
    %dot_general3A_267 = arith.constant dense<0.000000e+00> : vector<128x128xf32>
    %dot_general3A_268 = tpu.matmul %convert_element_type3A_266, %convert_element_type3A_4, %dot_general3A_267 {dimension_numbers = #tpu.dot_dimension_numbers<[0], [0], [1], [1], [0, 1, 1, 1], [], []>, transpose_lhs_hint = false} : vector<168x128xbf16>, vector<168x128xbf16>, vector<128x128xf32> -> vector<128x128xf32>
    %get3A_269 = arith.constant 2048 : index
    %get3A_270 = arith.constant 0 : index
    %get3A_271 = vector.load %arg12[%get3A_269, %get3A_270] : memref<3200x128xf32, #tpu.memory_space<vmem>>, vector<128x128xf32>
    %add3A_272 = arith.addf %dot_general3A_268, %get3A_271 : vector<128x128xf32>
    %swap3A_273 = arith.constant 2048 : index
    %swap3A_274 = arith.constant 0 : index
    %swap3A_275 = vector.load %arg10[%swap3A_273, %swap3A_274] : memref<3200x128xf32, #tpu.memory_space<vmem>>, vector<128x128xf32>
    tpu.vector_store %arg10[%swap3A_273, %swap3A_274], %add3A_272 {strides = array<i32>} : memref<3200x128xf32, #tpu.memory_space<vmem>>, vector<128x128xf32>,
    %slice3A_276 = vector.extract_strided_slice %get3A_8 {offsets = [0, 17, 0], sizes = [1, 1, 128], strides = [1, 1, 1]} : vector<1x25x128xi32> to vector<1x1x128xi32>
    %squeeze3A_277 = vector.shape_cast %slice3A_276 : vector<1x1x128xi32> to vector<1x128xi32>
    %eq3A_278 = vector.broadcast %squeeze3A_277 : vector<1x128xi32> to vector<168x128xi32>
    %eq3A_279 = arith.cmpi eq, %iota3A, %eq3A_278 : vector<168x128xi32>
    %convert_element_type3A_280 = arith.extui %eq3A_279 : vector<168x128xi1> to vector<168x128xi32>
    %convert_element_type3A_281 = arith.sitofp %convert_element_type3A_280 : vector<168x128xi32> to vector<168x128xf32>
    %convert_element_type3A_282 = arith.truncf %convert_element_type3A_281 : vector<168x128xf32> to vector<168x128xbf16>
    %dot_general3A_283 = arith.constant dense<0.000000e+00> : vector<128x128xf32>
    %dot_general3A_284 = tpu.matmul %convert_element_type3A_282, %convert_element_type3A_4, %dot_general3A_283 {dimension_numbers = #tpu.dot_dimension_numbers<[0], [0], [1], [1], [0, 1, 1, 1], [], []>, transpose_lhs_hint = false} : vector<168x128xbf16>, vector<168x128xbf16>, vector<128x128xf32> -> vector<128x128xf32>
    %get3A_285 = arith.constant 2176 : index
    %get3A_286 = arith.constant 0 : index
    %get3A_287 = vector.load %arg12[%get3A_285, %get3A_286] : memref<3200x128xf32, #tpu.memory_space<vmem>>, vector<128x128xf32>
    %add3A_288 = arith.addf %dot_general3A_284, %get3A_287 : vector<128x128xf32>
    %swap3A_289 = arith.constant 2176 : index
    %swap3A_290 = arith.constant 0 : index
    %swap3A_291 = vector.load %arg10[%swap3A_289, %swap3A_290] : memref<3200x128xf32, #tpu.memory_space<vmem>>, vector<128x128xf32>
    tpu.vector_store %arg10[%swap3A_289, %swap3A_290], %add3A_288 {strides = array<i32>} : memref<3200x128xf32, #tpu.memory_space<vmem>>, vector<128x128xf32>,
    %slice3A_292 = vector.extract_strided_slice %get3A_8 {offsets = [0, 18, 0], sizes = [1, 1, 128], strides = [1, 1, 1]} : vector<1x25x128xi32> to vector<1x1x128xi32>
    %squeeze3A_293 = vector.shape_cast %slice3A_292 : vector<1x1x128xi32> to vector<1x128xi32>
    %eq3A_294 = vector.broadcast %squeeze3A_293 : vector<1x128xi32> to vector<168x128xi32>
    %eq3A_295 = arith.cmpi eq, %iota3A, %eq3A_294 : vector<168x128xi32>
    %convert_element_type3A_296 = arith.extui %eq3A_295 : vector<168x128xi1> to vector<168x128xi32>
    %convert_element_type3A_297 = arith.sitofp %convert_element_type3A_296 : vector<168x128xi32> to vector<168x128xf32>
    %convert_element_type3A_298 = arith.truncf %convert_element_type3A_297 : vector<168x128xf32> to vector<168x128xbf16>
    %dot_general3A_299 = arith.constant dense<0.000000e+00> : vector<128x128xf32>
    %dot_general3A_300 = tpu.matmul %convert_element_type3A_298, %convert_element_type3A_4, %dot_general3A_299 {dimension_numbers = #tpu.dot_dimension_numbers<[0], [0], [1], [1], [0, 1, 1, 1], [], []>, transpose_lhs_hint = false} : vector<168x128xbf16>, vector<168x128xbf16>, vector<128x128xf32> -> vector<128x128xf32>
    %get3A_301 = arith.constant 2304 : index
    %get3A_302 = arith.constant 0 : index
    %get3A_303 = vector.load %arg12[%get3A_301, %get3A_302] : memref<3200x128xf32, #tpu.memory_space<vmem>>, vector<128x128xf32>
    %add3A_304 = arith.addf %dot_general3A_300, %get3A_303 : vector<128x128xf32>
    %swap3A_305 = arith.constant 2304 : index
    %swap3A_306 = arith.constant 0 : index
    %swap3A_307 = vector.load %arg10[%swap3A_305, %swap3A_306] : memref<3200x128xf32, #tpu.memory_space<vmem>>, vector<128x128xf32>
    tpu.vector_store %arg10[%swap3A_305, %swap3A_306], %add3A_304 {strides = array<i32>} : memref<3200x128xf32, #tpu.memory_space<vmem>>, vector<128x128xf32>,
    %slice3A_308 = vector.extract_strided_slice %get3A_8 {offsets = [0, 19, 0], sizes = [1, 1, 128], strides = [1, 1, 1]} : vector<1x25x128xi32> to vector<1x1x128xi32>
    %squeeze3A_309 = vector.shape_cast %slice3A_308 : vector<1x1x128xi32> to vector<1x128xi32>
    %eq3A_310 = vector.broadcast %squeeze3A_309 : vector<1x128xi32> to vector<168x128xi32>
    %eq3A_311 = arith.cmpi eq, %iota3A, %eq3A_310 : vector<168x128xi32>
    %convert_element_type3A_312 = arith.extui %eq3A_311 : vector<168x128xi1> to vector<168x128xi32>
    %convert_element_type3A_313 = arith.sitofp %convert_element_type3A_312 : vector<168x128xi32> to vector<168x128xf32>
    %convert_element_type3A_314 = arith.truncf %convert_element_type3A_313 : vector<168x128xf32> to vector<168x128xbf16>
    %dot_general3A_315 = arith.constant dense<0.000000e+00> : vector<128x128xf32>
    %dot_general3A_316 = tpu.matmul %convert_element_type3A_314, %convert_element_type3A_4, %dot_general3A_315 {dimension_numbers = #tpu.dot_dimension_numbers<[0], [0], [1], [1], [0, 1, 1, 1], [], []>, transpose_lhs_hint = false} : vector<168x128xbf16>, vector<168x128xbf16>, vector<128x128xf32> -> vector<128x128xf32>
    %get3A_317 = arith.constant 2432 : index
    %get3A_318 = arith.constant 0 : index
    %get3A_319 = vector.load %arg12[%get3A_317, %get3A_318] : memref<3200x128xf32, #tpu.memory_space<vmem>>, vector<128x128xf32>
    %add3A_320 = arith.addf %dot_general3A_316, %get3A_319 : vector<128x128xf32>
    %swap3A_321 = arith.constant 2432 : index
    %swap3A_322 = arith.constant 0 : index
    %swap3A_323 = vector.load %arg10[%swap3A_321, %swap3A_322] : memref<3200x128xf32, #tpu.memory_space<vmem>>, vector<128x128xf32>
    tpu.vector_store %arg10[%swap3A_321, %swap3A_322], %add3A_320 {strides = array<i32>} : memref<3200x128xf32, #tpu.memory_space<vmem>>, vector<128x128xf32>,
    %slice3A_324 = vector.extract_strided_slice %get3A_8 {offsets = [0, 20, 0], sizes = [1, 1, 128], strides = [1, 1, 1]} : vector<1x25x128xi32> to vector<1x1x128xi32>
    %squeeze3A_325 = vector.shape_cast %slice3A_324 : vector<1x1x128xi32> to vector<1x128xi32>
    %eq3A_326 = vector.broadcast %squeeze3A_325 : vector<1x128xi32> to vector<168x128xi32>
    %eq3A_327 = arith.cmpi eq, %iota3A, %eq3A_326 : vector<168x128xi32>
    %convert_element_type3A_328 = arith.extui %eq3A_327 : vector<168x128xi1> to vector<168x128xi32>
    %convert_element_type3A_329 = arith.sitofp %convert_element_type3A_328 : vector<168x128xi32> to vector<168x128xf32>
    %convert_element_type3A_330 = arith.truncf %convert_element_type3A_329 : vector<168x128xf32> to vector<168x128xbf16>
    %dot_general3A_331 = arith.constant dense<0.000000e+00> : vector<128x128xf32>
    %dot_general3A_332 = tpu.matmul %convert_element_type3A_330, %convert_element_type3A_4, %dot_general3A_331 {dimension_numbers = #tpu.dot_dimension_numbers<[0], [0], [1], [1], [0, 1, 1, 1], [], []>, transpose_lhs_hint = false} : vector<168x128xbf16>, vector<168x128xbf16>, vector<128x128xf32> -> vector<128x128xf32>
    %get3A_333 = arith.constant 2560 : index
    %get3A_334 = arith.constant 0 : index
    %get3A_335 = vector.load %arg12[%get3A_333, %get3A_334] : memref<3200x128xf32, #tpu.memory_space<vmem>>, vector<128x128xf32>
    %add3A_336 = arith.addf %dot_general3A_332, %get3A_335 : vector<128x128xf32>
    %swap3A_337 = arith.constant 2560 : index
    %swap3A_338 = arith.constant 0 : index
    %swap3A_339 = vector.load %arg10[%swap3A_337, %swap3A_338] : memref<3200x128xf32, #tpu.memory_space<vmem>>, vector<128x128xf32>
    tpu.vector_store %arg10[%swap3A_337, %swap3A_338], %add3A_336 {strides = array<i32>} : memref<3200x128xf32, #tpu.memory_space<vmem>>, vector<128x128xf32>,
    %slice3A_340 = vector.extract_strided_slice %get3A_8 {offsets = [0, 21, 0], sizes = [1, 1, 128], strides = [1, 1, 1]} : vector<1x25x128xi32> to vector<1x1x128xi32>
    %squeeze3A_341 = vector.shape_cast %slice3A_340 : vector<1x1x128xi32> to vector<1x128xi32>
    %eq3A_342 = vector.broadcast %squeeze3A_341 : vector<1x128xi32> to vector<168x128xi32>
    %eq3A_343 = arith.cmpi eq, %iota3A, %eq3A_342 : vector<168x128xi32>
    %convert_element_type3A_344 = arith.extui %eq3A_343 : vector<168x128xi1> to vector<168x128xi32>
    %convert_element_type3A_345 = arith.sitofp %convert_element_type3A_344 : vector<168x128xi32> to vector<168x128xf32>
    %convert_element_type3A_346 = arith.truncf %convert_element_type3A_345 : vector<168x128xf32> to vector<168x128xbf16>
    %dot_general3A_347 = arith.constant dense<0.000000e+00> : vector<128x128xf32>
    %dot_general3A_348 = tpu.matmul %convert_element_type3A_346, %convert_element_type3A_4, %dot_general3A_347 {dimension_numbers = #tpu.dot_dimension_numbers<[0], [0], [1], [1], [0, 1, 1, 1], [], []>, transpose_lhs_hint = false} : vector<168x128xbf16>, vector<168x128xbf16>, vector<128x128xf32> -> vector<128x128xf32>
    %get3A_349 = arith.constant 2688 : index
    %get3A_350 = arith.constant 0 : index
    %get3A_351 = vector.load %arg12[%get3A_349, %get3A_350] : memref<3200x128xf32, #tpu.memory_space<vmem>>, vector<128x128xf32>
    %add3A_352 = arith.addf %dot_general3A_348, %get3A_351 : vector<128x128xf32>
    %swap3A_353 = arith.constant 2688 : index
    %swap3A_354 = arith.constant 0 : index
    %swap3A_355 = vector.load %arg10[%swap3A_353, %swap3A_354] : memref<3200x128xf32, #tpu.memory_space<vmem>>, vector<128x128xf32>
    tpu.vector_store %arg10[%swap3A_353, %swap3A_354], %add3A_352 {strides = array<i32>} : memref<3200x128xf32, #tpu.memory_space<vmem>>, vector<128x128xf32>,
    %slice3A_356 = vector.extract_strided_slice %get3A_8 {offsets = [0, 22, 0], sizes = [1, 1, 128], strides = [1, 1, 1]} : vector<1x25x128xi32> to vector<1x1x128xi32>
    %squeeze3A_357 = vector.shape_cast %slice3A_356 : vector<1x1x128xi32> to vector<1x128xi32>
    %eq3A_358 = vector.broadcast %squeeze3A_357 : vector<1x128xi32> to vector<168x128xi32>
    %eq3A_359 = arith.cmpi eq, %iota3A, %eq3A_358 : vector<168x128xi32>
    %convert_element_type3A_360 = arith.extui %eq3A_359 : vector<168x128xi1> to vector<168x128xi32>
    %convert_element_type3A_361 = arith.sitofp %convert_element_type3A_360 : vector<168x128xi32> to vector<168x128xf32>
    %convert_element_type3A_362 = arith.truncf %convert_element_type3A_361 : vector<168x128xf32> to vector<168x128xbf16>
    %dot_general3A_363 = arith.constant dense<0.000000e+00> : vector<128x128xf32>
    %dot_general3A_364 = tpu.matmul %convert_element_type3A_362, %convert_element_type3A_4, %dot_general3A_363 {dimension_numbers = #tpu.dot_dimension_numbers<[0], [0], [1], [1], [0, 1, 1, 1], [], []>, transpose_lhs_hint = false} : vector<168x128xbf16>, vector<168x128xbf16>, vector<128x128xf32> -> vector<128x128xf32>
    %get3A_365 = arith.constant 2816 : index
    %get3A_366 = arith.constant 0 : index
    %get3A_367 = vector.load %arg12[%get3A_365, %get3A_366] : memref<3200x128xf32, #tpu.memory_space<vmem>>, vector<128x128xf32>
    %add3A_368 = arith.addf %dot_general3A_364, %get3A_367 : vector<128x128xf32>
    %swap3A_369 = arith.constant 2816 : index
    %swap3A_370 = arith.constant 0 : index
    %swap3A_371 = vector.load %arg10[%swap3A_369, %swap3A_370] : memref<3200x128xf32, #tpu.memory_space<vmem>>, vector<128x128xf32>
    tpu.vector_store %arg10[%swap3A_369, %swap3A_370], %add3A_368 {strides = array<i32>} : memref<3200x128xf32, #tpu.memory_space<vmem>>, vector<128x128xf32>,
    %slice3A_372 = vector.extract_strided_slice %get3A_8 {offsets = [0, 23, 0], sizes = [1, 1, 128], strides = [1, 1, 1]} : vector<1x25x128xi32> to vector<1x1x128xi32>
    %squeeze3A_373 = vector.shape_cast %slice3A_372 : vector<1x1x128xi32> to vector<1x128xi32>
    %eq3A_374 = vector.broadcast %squeeze3A_373 : vector<1x128xi32> to vector<168x128xi32>
    %eq3A_375 = arith.cmpi eq, %iota3A, %eq3A_374 : vector<168x128xi32>
    %convert_element_type3A_376 = arith.extui %eq3A_375 : vector<168x128xi1> to vector<168x128xi32>
    %convert_element_type3A_377 = arith.sitofp %convert_element_type3A_376 : vector<168x128xi32> to vector<168x128xf32>
    %convert_element_type3A_378 = arith.truncf %convert_element_type3A_377 : vector<168x128xf32> to vector<168x128xbf16>
    %dot_general3A_379 = arith.constant dense<0.000000e+00> : vector<128x128xf32>
    %dot_general3A_380 = tpu.matmul %convert_element_type3A_378, %convert_element_type3A_4, %dot_general3A_379 {dimension_numbers = #tpu.dot_dimension_numbers<[0], [0], [1], [1], [0, 1, 1, 1], [], []>, transpose_lhs_hint = false} : vector<168x128xbf16>, vector<168x128xbf16>, vector<128x128xf32> -> vector<128x128xf32>
    %get3A_381 = arith.constant 2944 : index
    %get3A_382 = arith.constant 0 : index
    %get3A_383 = vector.load %arg12[%get3A_381, %get3A_382] : memref<3200x128xf32, #tpu.memory_space<vmem>>, vector<128x128xf32>
    %add3A_384 = arith.addf %dot_general3A_380, %get3A_383 : vector<128x128xf32>
    %swap3A_385 = arith.constant 2944 : index
    %swap3A_386 = arith.constant 0 : index
    %swap3A_387 = vector.load %arg10[%swap3A_385, %swap3A_386] : memref<3200x128xf32, #tpu.memory_space<vmem>>, vector<128x128xf32>
    tpu.vector_store %arg10[%swap3A_385, %swap3A_386], %add3A_384 {strides = array<i32>} : memref<3200x128xf32, #tpu.memory_space<vmem>>, vector<128x128xf32>,
    %slice3A_388 = vector.extract_strided_slice %get3A_8 {offsets = [0, 24, 0], sizes = [1, 1, 128], strides = [1, 1, 1]} : vector<1x25x128xi32> to vector<1x1x128xi32>
    %squeeze3A_389 = vector.shape_cast %slice3A_388 : vector<1x1x128xi32> to vector<1x128xi32>
    %eq3A_390 = vector.broadcast %squeeze3A_389 : vector<1x128xi32> to vector<168x128xi32>
    %eq3A_391 = arith.cmpi eq, %iota3A, %eq3A_390 : vector<168x128xi32>
    %convert_element_type3A_392 = arith.extui %eq3A_391 : vector<168x128xi1> to vector<168x128xi32>
    %convert_element_type3A_393 = arith.sitofp %convert_element_type3A_392 : vector<168x128xi32> to vector<168x128xf32>
    %convert_element_type3A_394 = arith.truncf %convert_element_type3A_393 : vector<168x128xf32> to vector<168x128xbf16>
    %dot_general3A_395 = arith.constant dense<0.000000e+00> : vector<128x128xf32>
    %dot_general3A_396 = tpu.matmul %convert_element_type3A_394, %convert_element_type3A_4, %dot_general3A_395 {dimension_numbers = #tpu.dot_dimension_numbers<[0], [0], [1], [1], [0, 1, 1, 1], [], []>, transpose_lhs_hint = false} : vector<168x128xbf16>, vector<168x128xbf16>, vector<128x128xf32> -> vector<128x128xf32>
    %get3A_397 = arith.constant 3072 : index
    %get3A_398 = arith.constant 0 : index
    %get3A_399 = vector.load %arg12[%get3A_397, %get3A_398] : memref<3200x128xf32, #tpu.memory_space<vmem>>, vector<128x128xf32>
    %add3A_400 = arith.addf %dot_general3A_396, %get3A_399 : vector<128x128xf32>
    %swap3A_401 = arith.constant 3072 : index
    %swap3A_402 = arith.constant 0 : index
    %swap3A_403 = vector.load %arg10[%swap3A_401, %swap3A_402] : memref<3200x128xf32, #tpu.memory_space<vmem>>, vector<128x128xf32>
    tpu.vector_store %arg10[%swap3A_401, %swap3A_402], %add3A_400 {strides = array<i32>} : memref<3200x128xf32, #tpu.memory_space<vmem>>, vector<128x128xf32>,
    return
  }
  func.func @transform_0(%arg0: i32) -> (i32, i32, i32) {
    %c0_i32 = arith.constant 0 : i32
    %c0_i32_0 = arith.constant 0 : i32
    %c0_i32_1 = arith.constant 0 : i32
    return %arg0, %c0_i32, %c0_i32_0 : i32, i32, i32
  }
  func.func @transform_1(%arg0: i32) -> (i32, i32) {
    %c0_i32 = arith.constant 0 : i32
    %c0_i32_0 = arith.constant 0 : i32
    %c0_i32_1 = arith.constant 0 : i32
    return %c0_i32, %c0_i32_0 : i32, i32
  }
  func.func @transform_2(%arg0: i32) -> (i32, i32) {
    %c0_i32 = arith.constant 0 : i32
    %c0_i32_0 = arith.constant 0 : i32
    %c0_i32_1 = arith.constant 0 : i32
    return %c0_i32, %c0_i32_0 : i32, i32
  }
  func.func @transform_3(%arg0: i32) -> (i32, i32) {
    %c0_i32 = arith.constant 0 : i32
    %c0_i32_0 = arith.constant 0 : i32
    %c0_i32_1 = arith.constant 0 : i32
    return %c0_i32, %c0_i32_0 : i32, i32
  }
  func.func @transform_4(%arg0: i32) -> (i32, i32) {
    %c0_i32 = arith.constant 0 : i32
    %c0_i32_0 = arith.constant 0 : i32
    %c0_i32_1 = arith.constant 0 : i32
    return %c0_i32, %c0_i32_0 : i32, i32
  }
  func.func @transform_5(%arg0: i32) -> (i32, i32) {
    %c0_i32 = arith.constant 0 : i32
    %c0_i32_0 = arith.constant 0 : i32
    %c0_i32_1 = arith.constant 0 : i32
    return %c0_i32, %c0_i32_0 : i32, i32
  }
  func.func @transform_6(%arg0: i32) -> (i32, i32) {
    %c0_i32 = arith.constant 0 : i32
    %c0_i32_0 = arith.constant 0 : i32
    %c0_i32_1 = arith.constant 0 : i32
    return %c0_i32, %c0_i32_0 : i32, i32
  }
  func.func @transform_7(%arg0: i32) -> (i32, i32) {
    %c0_i32 = arith.constant 0 : i32
    %c0_i32_0 = arith.constant 0 : i32
    %c0_i32_1 = arith.constant 0 : i32
    return %c0_i32, %c0_i32_0 : i32, i32
  }
  func.func @transform_8(%arg0: i32) -> (i32, i32) {
    %c0_i32 = arith.constant 0 : i32
    %c0_i32_0 = arith.constant 0 : i32
    %c0_i32_1 = arith.constant 0 : i32
    return %c0_i32, %c0_i32_0 : i32, i32
  }
  func.func @transform_9(%arg0: i32) -> (i32, i32) {
    %add3A = arith.constant 32 : i32
    %add3A_0 = arith.addi %arg0, %add3A : i32
    %c0_i32 = arith.constant 0 : i32
    %c0_i32_1 = arith.constant 0 : i32
    return %add3A_0, %c0_i32 : i32, i32
  }
}

</mosaic_0001>

<sc_bundles>
// kernel: kernel.7.cloned.1.call-start
scs
__scs_entry_jumppad:
0x0: {  	(pc) =	sbr.rel $0x88, $3  }
0x1: {  	(tag) =	ssettag $0x0;
	lr =	simm.s32 $0x1  }
0x2: {  	[smem:$0x3F98] =	sst lr;
	_ =	strace $0xD0000000  }
0x3: {  	_ = 	snop  }
0x4: {  	_ = 	snop  }
0x5: {  	_ = 	snop  }
0x6: {  	_ = 	snop  }
0x7: {  	_ = 	snop  }
__scs_overlays_trampoline_lowered:
0x8: {  	[smem:$0x3FA7] =	sst s0  }
0x9: {  	[smem:$0x3FA8] =	sst s1  }
0xa: {  	[smem:$0x3FA9] =	sst s2  }
0xb: {  	[smem:$0x3FAA] =	sst s3  }
0xc: {  	[smem:$0x3FAB] =	sst s4  }
0xd: {  	[smem:$0x3FAC] =	sst s5  }
0xe: {  	[smem:$0x3FAD] =	sst s6  }
0xf: {  	[smem:$0x3FAE] =	sst s7  }
0x10: {  	[smem:$0x3FAF] =	sst s8  }
0x11: {  	[smem:$0x3FB0] =	sst s9;
	s0 =	simm.s32 @!p0 $0x0  }
0x12: {  	s1 =	sld [smem:$0x3F96];
	s0 =	simm.s32 @p0 $0x1  }
0x13: {  	[smem:$0x3FB1] =	sst s0;
	s0 =	simm.s32 @!p1 $0x0  }
0x14: {  	s2 =	sld [smem:$0x3F95];
	s0 =	simm.s32 @p1 $0x1  }
0x15: {  	[smem:$0x3FB2] =	sst s0;
	s0 =	simm.s32 @!p2 $0x0  }
0x16: {  	s3 =	sld [smem:$0x3FDB];
	s0 =	simm.s32 @p2 $0x1  }
0x17: {  	s4 =	simm.s32 $0x1BF5;
	[smem:$0x3FB4] =	sst s0  }
0x18: {  	s0 =	sld [smem:$0x3F97];
	_ =	swait.ge [sflag:s4], $0x0  }
0x19: {  	s7 =	sld [smem:$0x3F98]  }
0x1a: {  	s8 =	sadd.s32 $0xFFFFE003, lr  }
0x1b: {  	s9 =	sadd.s32 $0xFFFFFEF7, lr;
	s5 =	simm.s32 $0xFFFFFFFF;
	p2 =	slt.u32 s8, $0xFFFFF086  }
0x1c: {  	p1 =	slt.u32 s9, $0xF7A;
	s5 =	simm.s32 @!p2 $0x0  }
0x1d: {  	s5 =	simm.s32 @p1 $0x1;
	p0 =	seq.s32 s7, s2  }
0x1e: {  	s7 =	smul.u32 @!p0 $0xF7A, s2;
	p2 =	seq.s32 @!p0 s5, $0x0  }
0x1f: {  	s9 =	smul.u32 $0xF7A, s1;
	s8 =	simm.s32 @!p0 $0x1BF5;
	p2 =	por !p2, p0  }
0x20: {  	[sflag:s8] =	ssyncset.s32 @!p0 $0xFFFFF086;
	s6 =	sadd.s32 @!p0 s3, s7;
	s7 =	simm.s32 @!p0 $0x108  }
0x21: {  	s3 =	sadd.s32 s3, s9;
	s6 =	sadd.s32 @!p0 $0x88, s6;
	s7 =	simm.s32 @p2 $0x1082  }
0x22: {  	[simem:s7], [sflag:s8] =	dma.local @!p0 [hbm:s6], $0xF7A  }
0x23: {  	s9 =	sor.u32 $0xD0000000, s2;
	s6 =	simm.s32 $0x108;
	_ =	swait.ge @!p0 [sflag:s8], $0x0  }
0x24: {  	s3 =	sadd.s32 $0x88, s3;
	s6 =	simm.s32 @!p1 $0x1082;
	[sflag:s4] =	ssyncset.s32 $0xFFFFF086  }
0x25: {  	[simem:s6], [sflag:s4] =	dma.local [hbm:s3], $0xF7A  }
0x26: {  	[smem:$0x3F98] =	sst s1;
	(tag) =	ssettag s2;
	_ =	strace s9  }
0x27: {  	s1 =	sld [smem:$0x3FA8]  }
0x28: {  	s2 =	sld [smem:$0x3FA9]  }
0x29: {  	s4 =	sld [smem:$0x3FAB]  }
0x2a: {  	p0 =	seq.s32 s5, $0x0;
	s5 =	sld [smem:$0x3FAC]  }
0x2b: {  	s6 =	sld [smem:$0x3FAD]  }
0x2c: {  	s7 =	sld [smem:$0x3FAE]  }
0x2d: {  	s3 =	simm.s32 $0x108;
	s8 =	sld [smem:$0x3FAF]  }
0x2e: {  	s3 =	simm.s32 @!p0 $0x1082;
	s9 =	sld [smem:$0x3FB0]  }
0x2f: {  	lr =	sadd.s32 s0, s3;
	s0 =	sld [smem:$0x3FA7]  }
0x30: {  	s3 =	sld [smem:$0x3FAA]  }
0x31: {  	[smem:$0x3FB3] =	sst s10  }
0x32: {  	s10 =	sld [smem:$0x3FB1];
	_ =	sdelay $0x3  }
0x33: {  	p0 =	seq.s32 s10, $0x1;
	s10 =	sld [smem:$0x3FB3];
	_ =	sdelay $0x3  }
0x34: {  	[smem:$0x3FB3] =	sst s10  }
0x35: {  	s10 =	sld [smem:$0x3FB2];
	_ =	sdelay $0x3  }
0x36: {  	p1 =	seq.s32 s10, $0x1;
	s10 =	sld [smem:$0x3FB3];
	_ =	sdelay $0x3  }
0x37: {  	[smem:$0x3FB3] =	sst s10  }
0x38: {  	s10 =	sld [smem:$0x3FB4]  }
0x39: {  	_ = 	snop;
	(pc) =	sbr.ind lr, $3  }
0x3a: {  	_ = 	snop  }
0x3b: {  	_ = 	snop  }
0x3c: {  	p2 =	seq.s32 s10, $0x1;
	s10 =	sld [smem:$0x3FB3]  }
0x3d: {  	_ =	shalt  }
0x3e: {  	_ =	shalt  }
0x3f: {  	_ =	shalt  }
0x40: {  	_ =	shalt  }
0x41: {  	_ =	shalt  }
0x42: {  	_ =	shalt  }
0x43: {  	_ =	shalt  }
0x44: {  	_ =	shalt  }
0x45: {  	_ =	shalt  }
0x46: {  	_ =	shalt  }
0x47: {  	_ =	shalt  }
0x48: {  	_ =	shalt  }
0x49: {  	_ =	shalt  }
0x4a: {  	_ =	shalt  }
0x4b: {  	_ =	shalt  }
0x4c: {  	_ =	shalt  }
0x4d: {  	_ =	shalt  }
0x4e: {  	_ =	shalt  }
0x4f: {  	_ =	shalt  }
0x50: {  	_ =	shalt  }
0x51: {  	_ =	shalt  }
0x52: {  	_ =	shalt  }
0x53: {  	_ =	shalt  }
0x54: {  	_ =	shalt  }
0x55: {  	_ =	shalt  }
0x56: {  	_ =	shalt  }
0x57: {  	_ =	shalt  }
0x58: {  	_ =	shalt  }
0x59: {  	_ =	shalt  }
0x5a: {  	_ =	shalt  }
0x5b: {  	_ =	shalt  }
0x5c: {  	_ =	shalt  }
0x5d: {  	_ =	shalt  }
0x5e: {  	_ =	shalt  }
0x5f: {  	_ =	shalt  }
0x60: {  	_ =	shalt  }
0x61: {  	_ =	shalt  }
0x62: {  	_ =	shalt  }
0x63: {  	_ =	shalt  }
0x64: {  	_ =	shalt  }
0x65: {  	_ =	shalt  }
0x66: {  	_ =	shalt  }
0x67: {  	_ =	shalt  }
0x68: {  	_ =	shalt  }
0x69: {  	_ =	shalt  }
0x6a: {  	_ =	shalt  }
0x6b: {  	_ =	shalt  }
0x6c: {  	_ =	shalt  }
0x6d: {  	_ =	shalt  }
0x6e: {  	_ =	shalt  }
0x6f: {  	_ =	shalt  }
0x70: {  	_ =	shalt  }
0x71: {  	_ =	shalt  }
0x72: {  	_ =	shalt  }
0x73: {  	_ =	shalt  }
0x74: {  	_ =	shalt  }
0x75: {  	_ =	shalt  }
0x76: {  	_ =	shalt  }
0x77: {  	_ =	shalt  }
0x78: {  	_ =	shalt  }
0x79: {  	_ =	shalt  }
0x7a: {  	_ =	shalt  }
0x7b: {  	_ =	shalt  }
0x7c: {  	_ =	shalt  }
0x7d: {  	_ =	shalt  }
0x7e: {  	_ =	shalt  }
0x7f: {  	_ =	shalt  }
0x80: {  	_ =	shalt  }
0x81: {  	_ =	shalt  }
0x82: {  	_ =	shalt  }
0x83: {  	_ =	shalt  }
0x84: {  	_ =	shalt  }
0x85: {  	_ =	shalt  }
0x86: {  	_ =	shalt  }
0x87: {  	_ =	shalt  }
.Lfunc_end0:
.L_simem_size_0:
called_computation_lowered:
.L_overlay_start_0:
0x88: {  	s2 =	sld [smem:$0x3FD9]  }
0x89: {  	s3 =	sld [smem:$0x3FFE];
	_ =	sdelay $0x1  }
0x8a: {  	s1 =	srdreg.scid  }
0x8b: {  	s0 =	sand.u32 $0x1, s1  }
0x8c: {  	s16 =	sshll.u32 s0, $0xA;
	s2 =	sadd.s32 s3, s2  }
0x8d: {  	s2 =	sadd.s32 s2, s16  }
0x8e: {  	[smem:$0x3FBF] =	sst s2  }
0x8f: {  	_ = 	snop  }
0x90: {  	(tm) =	ssettm $0x1  }
0x91: {  	s17 =	sld [smem:$0x3FFB];
	_ =	sdelay $0x3  }
0x92: {  	_ =	strace s17  }
0x93: {  	s2 =	sld [smem:$0x3FFC];
	_ =	sdelay $0x3  }
0x94: {  	_ =	strace s2  }
0x95: {  	s2 =	sld [smem:$0x3FFD];
	_ =	sdelay $0x3  }
0x96: {  	_ =	strace s2  }
0x97: {  	_ =	strace $0x8FFFFFFF  }
0x98: {  	s18 =	sld [smem:$0x3FDB];
	_ =	sdelay $0x1  }
0x99: {  	s19 =	simm.s32 $_scs_section_size  }
0x9a: {  	s4 =	simm.s32 $_size__tile_overlayer_lowered;
	s5 =	simm.s32 $_tile_overlayer_lowered  }
0x9b: {  	s22 =	simm.s32 $0x1BFF;
	s21 =	sshll.u32 s5, $0x1;
	s2 =	sadd.s32 s19, s18  }
0x9c: {  	s6 =	simm.s32 $0x0;
	s20 =	sshll.u32 s4, $0x1;
	s4 =	sadd.s32 s21, s2  }
0x9d: {  	[timem:s6], [sflag:s22] =	dma.local [hbm:s4], s20  }
0x9e: {  	_ =	swait.ge [sflag:s22], s20  }
0x9f: {  	s3 =	ssub.s32 $0x0, s20;
	[sflag:s22] =	ssyncset.done $0x0  }
0xa0: {  	[sflag:s22] =	ssyncadd.s32 s3;
	_ =	sdelay $0x1  }
0xa1: {  	s23 =	simm.s32 $0x1B8B  }
0xa2: {  	_ =	swait.ge [sflag:s23], $0x1  }
0xa3: {  	[sflag:s23] =	ssyncset.done $0x0  }
0xa4: {  	s25 =	simm.s32 $0x1B8E;
	s24 =	sld [smem:$0x3FFE];
	[sflag:s23] =	ssyncadd.s32 $0xFFFFFFFF  }
0xa5: {  	s26 =	simm.s32 $execute0_lowered;
	[smem:$0x3FD2] =	sst s25  }
0xa6: {  	s4 =	sshll.u32 s26, $0x1;
	_ =	strace $0x80000046;
	[dreg:$0x1] =	wrdreg $0xFFFFFFFF  }
0xa7: {  	s28 =	simm.s32 $_size_execute0_lowered;
	s2 =	sadd.s32 s2, s4;
	[dreg:$0x0] =	wrdreg $0x0  }
0xa8: {  	s4 =	sshll.u32 s28, $0x1;
	[dreg:$0x2] =	wrdreg s2  }
0xa9: {  	[dreg:$0x3] =	wrdreg s4  }
0xaa: {  	[dreg:$0x4] =	wrdreg $0xC0  }
0xab: {  	_ =	task [dreg:s6], $0x5FFFF  }
0xac: {  	[dreg:$0x1] =	wrdreg $0xFFFFFFFF  }
0xad: {  	[dreg:$0x0] =	wrdreg $0x60  }
0xae: {  	[dreg:$0x2] =	wrdreg s24  }
0xaf: {  	[dreg:$0x3] =	wrdreg $0x9  }
0xb0: {  	_ =	task.clear_ibuf [dreg:s6], $0x4FFFF;
	_ =	strace $0x90000046  }
0xb1: {  	s29 =	simm.s32 $0x9;
	_ =	strace $0x80000048  }
0xb2: {  	_ =	swait.ge [sflag:s29], $0x1  }
0xb3: {  	[sflag:s29] =	ssyncadd.s32 $0xFFFFFFFF  }
0xb4: {  	_ =	strace $0x90000048  }
0xb5: {  	_ =	sfence  }
0xb6: {  	s30 =	sld [smem:$0x0];
	_ =	sdelay $0x2  }
0xb7: {  	s31 =	sshll.u32 s1, $0xD;
	s1 =	sshrl.u32 s1, $0x2  }
0xb8: {  	s3 =	sand.u32 $0x4000, s31;
	s1 =	sadd.s32 s1, s30  }
0xb9: {  	s0 =	sor.u32 s3, s0;
	s1 =	sshll.u32 s1, $0x11  }
0xba: {  	s0 =	sor.u32 s1, s0  }
0xbb: {  	s0 =	sadd.s32 $0x8F2B, s0  }
0xbc: {  	[sflag:s0] =	ssyncadd.remote.s32 $0x1  }
0xbd: {  	_ =	sfence.sel $0xFFFF  }
0xbe: {  	[dreg:$0x0] =	wrdreg $0xFFFFFFFF;
	(pc) =	sbr.abs _section_cstart, $3  }
0xbf: {  	[dreg:$0x1] =	wrdreg $0xFFFFFFFF  }
0xc0: {  	_ =	task.clear_ibuf [dreg:s6], $0x2FFFF;
	_ =	strace $0x9FFFFFFF  }
0xc1: {  	(tm) =	ssettm $0x7FFFFFFF  }
tec
execute0_lowered:
.L_overlay_start_1:
0x0: {  	(tag) =	ssettag $0x1  }
0x1: {  	s0 =	rddreg [dreg:$0x0]  }
0x2: {  	s1 =	srdreg.scid;
	s11 =	stileid.u32;
	s2 =	simm.s32 $0x0  }
0x3: {  	s12 =	simm.s32 $0x9;
	s13 =	simm.s32 $0x80;
	s14 =	simm.s32 $0x1000  }
0x4: {  	s15 =	simm.s32 $0x5000;
	s17 =	simm.s32 $0x9000;
	s18 =	simm.s32 $0x1  }
0x5: {  	s19 =	simm.s32 $0x180;
	s20 =	simm.s32 $0xD000;
	s21 =	simm.s32 $0x2  }
0x6: {  	s22 =	simm.s32 $0x5;
	s23 =	simm.s32 $0x3;
	s24 =	simm.s32 $0x6  }
0x7: {  	s28 =	simm.s32 $0x8;
	s29 =	simm.s32 $0xC00;
	s30 =	simm.s32 $0x0  }
0x8: {  	s1 =	sand.u32 $0x1, s1;
	s3 =	sshll.u32 s11, $0x1;
	[smem:$0x7FF] =	sst s2  }
0x9: {  	s26 =	smul.u32 $0x19000, s11;
	s4 =	sor.u32 s1, s3;
	_ =	strace $0x80000047  }
0xa: {  	s3 =	sadd.s32 $0x6400, s0;
	s6 =	ssub.s32 $0x2, s1;
	s1 =	smul.u32 $0xC800, s1  }
0xb: {  	s5 =	sshll.u32 s4, $0x9;
	s7 =	smul.u32 $0x64000, s4;
	s8 =	sshrl.u32 s6, $0x1  }
0xc: {  	s9 =	smul.u32 $0xC800, s4;
	s5 =	sadd.s32 s5, s0;
	s0 =	sadd.s32 $0x89800, s0  }
0xd: {  	s10 =	ssub.s32 s6, s8;
	s25 =	sshrl.u32 s7, $0x3;
	s4 =	sadd.s32 $0x2400, s5  }
0xe: {  	s5 =	sadd.s32 s0, s9;
	s10 =	smax.u32 s10, $0x1;
	s31 =	sadd.s32 s0, s25  }
0xf: {  	s0 =	sadd.s32 s26, s0;
	s25 =	simm.s32 $0x4;
	s26 =	simm.s32 $0x7  }
0x10: {  	s6 =	sadd.s32 $0x800, s31;
	s7 =	sadd.s32 $0xB000, s31;
	s0 =	sadd.s32 s1, s0  }
0x11: {  	s8 =	sadd.s32 $0xB800, s31;
	s9 =	sadd.s32 $0xC000, s31;
	s11 =	sadd.s32 $0x1800, s0  }
.LBB2_1:
0x12: {  	[tilespmem:s2], [sflag:$0x9] =	stream.linear.gather [hbm4b:s4+s2], $0xC80, $0x38;
	[tilespmem:$0x11000] =	vst v63  }
0x13: {  	_ =	swait.ge [sflag:s12], $0xC80  }
0x14: {  	[sflag:s12] =	ssyncset.done $0x0  }
0x15: {  	[sflag:s12] =	ssyncadd.s32 $0xFFFFF380  }
0x16: {  	[tilespmem:s14], [sflag:$0x1] =	stream.indirect.gather [hbm4b:s3+s13], $0x80, s2, s13, $0xb8;
	[tilespmem:$0x11000] =	vst v63  }
0x17: {  	_ = 	snop  }
0x18: {  	[tilespmem:s15], [sflag:$0x2] =	stream.indirect.gather [hbm4b:s3+s13], $0x80, s13, s13, $0xb8;
	[tilespmem:$0x11000] =	vst v63  }
0x19: {  	s0 =	simm.s32 $0x100  }
0x1a: {  	[tilespmem:s17], [sflag:$0x3] =	stream.indirect.gather [hbm4b:s3+s13], $0x80, s0, s13, $0xb8;
	[tilespmem:$0x11000] =	vst v63  }
0x1b: {  	_ =	swait.ge [sflag:s18], $0x4000  }
0x1c: {  	[sflag:s18] =	ssyncset.done $0x0  }
0x1d: {  	[sflag:s18] =	ssyncadd.s32 $0xFFFFC000  }
0x1e: {  	[hbm4b:s5+s2] =	stream.linear.scatter [tilespmem:s14], [sflag:$0x5], $0x4000, $0x38;
	[tilespmem:$0x11000] =	vst v63  }
0x1f: {  	_ = 	snop  }
0x20: {  	[tilespmem:s20], [sflag:$0x4] =	stream.indirect.gather [hbm4b:s3+s13], $0x80, s19, s13, $0xb8;
	[tilespmem:$0x11000] =	vst v63  }
0x21: {  	_ =	swait.ge [sflag:s21], $0x4000  }
0x22: {  	[sflag:s21] =	ssyncset.done $0x0  }
0x23: {  	[sflag:s21] =	ssyncadd.s32 $0xFFFFC000  }
0x24: {  	[hbm4b:s6+s2] =	stream.linear.scatter [tilespmem:s15], [sflag:$0x6], $0x4000, $0x38;
	[tilespmem:$0x11000] =	vst v63  }
0x25: {  	_ =	swait.ge [sflag:s22], $0x4000  }
0x26: {  	[sflag:s22] =	ssyncset.done $0x0  }
0x27: {  	s1 =	simm.s32 $0x200;
	[sflag:s22] =	ssyncadd.s32 $0xFFFFC000  }
0x28: {  	[tilespmem:s14], [sflag:$0x1] =	stream.indirect.gather [hbm4b:s3+s13], $0x80, s1, s13, $0xb8;
	[tilespmem:$0x11000] =	vst v63  }
0x29: {  	_ =	swait.ge [sflag:s23], $0x4000  }
0x2a: {  	[sflag:s23] =	ssyncset.done $0x0  }
0x2b: {  	s16 =	sadd.s32 $0xFFFFF800, s11;
	[sflag:s23] =	ssyncadd.s32 $0xFFFFC000  }
0x2c: {  	[hbm4b:s16+s2] =	stream.linear.scatter [tilespmem:s17], [sflag:$0x7], $0x4000, $0x38;
	[tilespmem:$0x11000] =	vst v63  }
0x2d: {  	_ =	swait.ge [sflag:s24], $0x4000  }
0x2e: {  	[sflag:s24] =	ssyncset.done $0x0  }
0x2f: {  	s1 =	simm.s32 $0x280;
	[sflag:s24] =	ssyncadd.s32 $0xFFFFC000  }
0x30: {  	[tilespmem:s15], [sflag:$0x2] =	stream.indirect.gather [hbm4b:s3+s13], $0x80, s1, s13, $0xb8;
	[tilespmem:$0x11000] =	vst v63  }
0x31: {  	_ =	swait.ge [sflag:s25], $0x4000  }
0x32: {  	[sflag:s25] =	ssyncset.done $0x0  }
0x33: {  	[sflag:s25] =	ssyncadd.s32 $0xFFFFC000  }
0x34: {  	[hbm4b:s11+s2] =	stream.linear.scatter [tilespmem:s20], [sflag:$0x8], $0x4000, $0x38;
	[tilespmem:$0x11000] =	vst v63  }
0x35: {  	_ =	swait.ge [sflag:s26], $0x4000  }
0x36: {  	[sflag:s26] =	ssyncset.done $0x0  }
0x37: {  	s16 =	simm.s32 $0x300;
	[sflag:s26] =	ssyncadd.s32 $0xFFFFC000  }
0x38: {  	[tilespmem:s17], [sflag:$0x3] =	stream.indirect.gather [hbm4b:s3+s13], $0x80, s16, s13, $0xb8;
	[tilespmem:$0x11000] =	vst v63  }
0x39: {  	_ =	swait.ge [sflag:s18], $0x4000  }
0x3a: {  	[sflag:s18] =	ssyncset.done $0x0  }
0x3b: {  	s1 =	sadd.s32 $0x800, s11;
	[sflag:s18] =	ssyncadd.s32 $0xFFFFC000  }
0x3c: {  	[hbm4b:s1+s2] =	stream.linear.scatter [tilespmem:s14], [sflag:$0x5], $0x4000, $0x38;
	[tilespmem:$0x11000] =	vst v63  }
0x3d: {  	_ =	swait.ge [sflag:s28], $0x4000  }
0x3e: {  	[sflag:s28] =	ssyncset.done $0x0  }
0x3f: {  	s16 =	simm.s32 $0x380;
	[sflag:s28] =	ssyncadd.s32 $0xFFFFC000  }
0x40: {  	[tilespmem:s20], [sflag:$0x4] =	stream.indirect.gather [hbm4b:s3+s13], $0x80, s16, s13, $0xb8;
	[tilespmem:$0x11000] =	vst v63  }
0x41: {  	_ =	swait.ge [sflag:s21], $0x4000  }
0x42: {  	s31 =	simm.s32 $0x800;
	[sflag:s21] =	ssyncset.done $0x0  }
0x43: {  	s0 =	sadd.s32 $0x2000, s11;
	s1 =	sadd.s32 $0x1000, s11;
	[sflag:s21] =	ssyncadd.s32 $0xFFFFC000  }
.LBB2_2:
0x44: {  	[hbm4b:s1+s2] =	stream.linear.scatter [tilespmem:s15], [sflag:$0x6], $0x4000, $0x38;
	[tilespmem:$0x11000] =	vst v63  }
0x45: {  	s1 =	smov.u32 s31  }
0x46: {  	p0 =	sne.s32 s31, $0x2000;
	s31 =	sadd.s32 $0x800, s31;
	_ =	swait.ge [sflag:s22], $0x4000  }
0x47: {  	s1 =	sshra.s32 s1, $0x2;
	[sflag:s22] =	ssyncset.done $0x0  }
0x48: {  	s16 =	sadd.s32 $0x200, s1;
	[sflag:s22] =	ssyncadd.s32 $0xFFFFC000  }
0x49: {  	[tilespmem:s14], [sflag:$0x1] =	stream.indirect.gather [hbm4b:s3+s13], $0x80, s16, s13, $0xb8;
	[tilespmem:$0x11000] =	vst v63  }
0x4a: {  	_ =	swait.ge [sflag:s23], $0x4000  }
0x4b: {  	[sflag:s23] =	ssyncset.done $0x0  }
0x4c: {  	s16 =	sadd.s32 $0xFFFFF800, s0;
	[sflag:s23] =	ssyncadd.s32 $0xFFFFC000  }
0x4d: {  	[hbm4b:s16+s2] =	stream.linear.scatter [tilespmem:s17], [sflag:$0x7], $0x4000, $0x38;
	[tilespmem:$0x11000] =	vst v63  }
0x4e: {  	_ =	swait.ge [sflag:s24], $0x4000  }
0x4f: {  	[sflag:s24] =	ssyncset.done $0x0  }
0x50: {  	s16 =	sadd.s32 $0x280, s1;
	[sflag:s24] =	ssyncadd.s32 $0xFFFFC000  }
0x51: {  	[tilespmem:s15], [sflag:$0x2] =	stream.indirect.gather [hbm4b:s3+s13], $0x80, s16, s13, $0xb8;
	[tilespmem:$0x11000] =	vst v63  }
0x52: {  	_ =	swait.ge [sflag:s25], $0x4000  }
0x53: {  	[sflag:s25] =	ssyncset.done $0x0  }
0x54: {  	[sflag:s25] =	ssyncadd.s32 $0xFFFFC000  }
0x55: {  	[hbm4b:s0+s2] =	stream.linear.scatter [tilespmem:s20], [sflag:$0x8], $0x4000, $0x38;
	[tilespmem:$0x11000] =	vst v63  }
0x56: {  	_ =	swait.ge [sflag:s26], $0x4000  }
0x57: {  	[sflag:s26] =	ssyncset.done $0x0  }
0x58: {  	s16 =	sadd.s32 $0x300, s1;
	[sflag:s26] =	ssyncadd.s32 $0xFFFFC000  }
0x59: {  	[tilespmem:s17], [sflag:$0x3] =	stream.indirect.gather [hbm4b:s3+s13], $0x80, s16, s13, $0xb8;
	[tilespmem:$0x11000] =	vst v63  }
0x5a: {  	_ =	swait.ge [sflag:s18], $0x4000  }
0x5b: {  	[sflag:s18] =	ssyncset.done $0x0  }
0x5c: {  	s16 =	sadd.s32 $0x800, s0;
	[sflag:s18] =	ssyncadd.s32 $0xFFFFC000  }
0x5d: {  	[hbm4b:s16+s2] =	stream.linear.scatter [tilespmem:s14], [sflag:$0x5], $0x4000, $0x38;
	[tilespmem:$0x11000] =	vst v63  }
0x5e: {  	_ =	swait.ge [sflag:s28], $0x4000  }
0x5f: {  	[sflag:s28] =	ssyncset.done $0x0  }
.Ltmp0:
0x60: {  	s1 =	sadd.s32 $0x380, s1;
	[sflag:s28] =	ssyncadd.s32 $0xFFFFC000;
	(pc) =	sbr.rel @p0 .LBB2_2-.Ltmp0, $4  }
0x61: {  	[tilespmem:s20], [sflag:$0x4] =	stream.indirect.gather [hbm4b:s3+s13], $0x80, s1, s13, $0xb8;
	[tilespmem:$0x11000] =	vst v63  }
0x62: {  	_ =	swait.ge [sflag:s21], $0x4000  }
0x63: {  	[sflag:s21] =	ssyncset.done $0x0  }
0x64: {  	s1 =	sadd.s32 $0x1000, s0;
	s0 =	sadd.s32 $0x2000, s0;
	[sflag:s21] =	ssyncadd.s32 $0xFFFFC000  }
0x65: {  	[hbm4b:s1+s2] =	stream.linear.scatter [tilespmem:s15], [sflag:$0x6], $0x4000, $0x38;
	[tilespmem:$0x11000] =	vst v63  }
0x66: {  	_ =	swait.ge [sflag:s22], $0x4000  }
0x67: {  	[sflag:s22] =	ssyncset.done $0x0  }
0x68: {  	[sflag:s22] =	ssyncadd.s32 $0xFFFFC000  }
0x69: {  	[tilespmem:s14], [sflag:$0x1] =	stream.indirect.gather [hbm4b:s3+s13], $0x80, s29, s13, $0xb8;
	[tilespmem:$0x11000] =	vst v63  }
0x6a: {  	_ =	swait.ge [sflag:s23], $0x4000  }
0x6b: {  	[sflag:s23] =	ssyncset.done $0x0  }
0x6c: {  	[sflag:s23] =	ssyncadd.s32 $0xFFFFC000  }
0x6d: {  	[hbm4b:s7+s2] =	stream.linear.scatter [tilespmem:s17], [sflag:$0x7], $0x4000, $0x38;
	[tilespmem:$0x11000] =	vst v63  }
0x6e: {  	_ =	swait.ge [sflag:s25], $0x4000  }
0x6f: {  	[sflag:s25] =	ssyncset.done $0x0  }
0x70: {  	[sflag:s25] =	ssyncadd.s32 $0xFFFFC000  }
0x71: {  	[hbm4b:s8+s2] =	stream.linear.scatter [tilespmem:s20], [sflag:$0x8], $0x4000, $0x38;
	[tilespmem:$0x11000] =	vst v63  }
0x72: {  	_ =	swait.ge [sflag:s18], $0x4000  }
0x73: {  	[sflag:s18] =	ssyncset.done $0x0  }
0x74: {  	[sflag:s18] =	ssyncadd.s32 $0xFFFFC000  }
0x75: {  	[hbm4b:s9+s2] =	stream.linear.scatter [tilespmem:s14], [sflag:$0x5], $0x4000, $0x38;
	[tilespmem:$0x11000] =	vst v63  }
0x76: {  	_ =	swait.ge [sflag:s22], $0x4000  }
0x77: {  	[sflag:s22] =	ssyncset.done $0x0  }
0x78: {  	[sflag:s22] =	ssyncadd.s32 $0xFFFFC000  }
0x79: {  	_ =	swait.ge [sflag:s24], $0x4000  }
0x7a: {  	[sflag:s24] =	ssyncset.done $0x0  }
0x7b: {  	s30 =	sadd.s32 $0x1, s30;
	[sflag:s24] =	ssyncadd.s32 $0xFFFFC000  }
0x7c: {  	p0 =	sne.s32 s30, s10;
	_ =	swait.ge [sflag:s26], $0x4000  }
.Ltmp1:
0x7d: {  	[sflag:s26] =	ssyncset.done $0x0;
	(pc) =	sbr.rel @p0 .LBB2_1-.Ltmp1, $4  }
0x7e: {  	[sflag:s26] =	ssyncadd.s32 $0xFFFFC000  }
0x7f: {  	_ =	swait.ge [sflag:s28], $0x4000  }
0x80: {  	[sflag:s28] =	ssyncset.done $0x0  }
0x81: {  	[sflag:s28] =	ssyncadd.s32 $0xFFFFC000  }
0x82: {  	_ =	sfence.sel $0x180000  }
0x83: {  	[bflag:$0x0] =	sbarrier.arrive $0xFFFF  }
0x84: {  	_ =	strace $0x90000047  }
0x85: {  	s0 =	stileid.u32;
	[bflag:$0x2] =	sbarrier.arrive $0xFFFF  }
0x86: {  	p0 =	sne.s32 s0, $0x0;
	s0 =	rddreg [dreg:$0x1]  }
0x87: {  	s0 =	sadd.s32 @!p0 $0x100000, s0  }
0x88: {  	[sflag:s0] =	ssyncadd.tile.s32 @!p0 $0x1;
	_ =	shalt  }
.Lfunc_end2:
_tile_overlayer_lowered:
.L_overlay_start_2:
0x89: {  	(tag) =	ssettag $0x2  }
0x8a: {  	s0 =	rddreg [dreg:$0x0];
	s2 =	stileid.u32  }
0x8b: {  	s1 =	rddreg [dreg:$0x1];
	p0 =	sne.s32 s2, $0x0  }
0x8c: {  	s3 =	rddreg [dreg:$0x2];
	[bflag:$0x3] =	sbarrier.arrive $0xFFFF;
	s2 =	simm.s32 @!p0 $0x1C09  }
0x8d: {  	[timem:s3], [sflag:s2] =	dma.local @!p0 [hbm:s0], s1  }
0x8e: {  	s0 =	simm.s32 @!p0 $0x9  }
0x8f: {  	_ =	swait.ge @!p0 [sflag:s0], s1  }
0x90: {  	s1 =	ssub.s32 @!p0 $0x0, s1;
	[sflag:s0] =	ssyncset.done @!p0 $0x0  }
0x91: {  	[sflag:s0] =	ssyncadd.s32 @!p0 s1  }
0x92: {  	[bflag:$0x3] =	sbarrier.arrive $0xFFFF  }
0x93: {  	_ =	shalt  }

</sc_bundles>
